<compile_context>
chip_gen: v7x
topology: tpu7x:2x2x1
jax: 0.10.2.dev20260603
libtpu: 0.0.44.dev20260713+nightly
codegen_flags: <defaults>
</compile_context>

<pallas_src>
import functools

import jax
import jax.numpy as jnp
from jax import lax
from jax.experimental import pallas as pl
from jax.experimental.pallas import tpu as pltpu
from jax.experimental.pallas import tpu_sc as plsc

B = 16384
D = 128
V = 100000

NC = 2
NS = 16
NW = NC * NS
LANES = 16

BPW = B // NW
CH = 128
NCHUNK = BPW // CH
NBUF = 2
KSTEP = D // LANES
MUNROLL = 2


def _sc_body(feat_hbm, lab_hbm, cent_hbm, out_hbm,
             idx_v, rows0, rows1, feat0, feat1,
             acc_v, gsem0, gsem1, fsem0, fsem1):
    wid = lax.axis_index("s") * NC + lax.axis_index("c")
    base = wid * BPW

    pltpu.sync_copy(lab_hbm.at[pl.ds(base, BPW)], idx_v)

    rows_bufs = (rows0, rows1)
    gsems = (gsem0, gsem1)
    feat_bufs = (feat0, feat1)
    fsems = (fsem0, fsem1)

    def issue(c):
        p = c % NBUF
        g = pltpu.async_copy(
            cent_hbm.at[idx_v.at[pl.ds(c * CH, CH)]], rows_bufs[p], gsems[p])
        f = pltpu.async_copy(
            feat_hbm.at[pl.ds(base + c * CH, CH)], feat_bufs[p], fsems[p])
        return g, f

    cps = [issue(c) for c in range(NBUF)]

    zeros = jnp.zeros((LANES,), jnp.float32)
    m_acc = (zeros, zeros, zeros, zeros)
    for c in range(NCHUNK):
        p = c % NBUF
        g, f = cps[c]
        g.wait()
        f.wait()
        rbuf = rows_bufs[p]
        fbuf = feat_bufs[p]

        def mbody(i, carry):
            accs = list(carry)
            r0 = i * MUNROLL
            for u in range(MUNROLL):
                for k in range(KSTEP):
                    fv = fbuf[r0 + u, pl.ds(k * LANES, LANES)]
                    cv = rbuf[r0 + u, pl.ds(k * LANES, LANES)]
                    dd = fv - cv
                    accs[(k + 4 * u) % 4] = accs[(k + 4 * u) % 4] + dd * dd
            return tuple(accs)

        m_acc = lax.fori_loop(0, CH // MUNROLL, mbody, m_acc)
        if c + NBUF < NCHUNK:
            cps.append(issue(c + NBUF))

    m_vec = (m_acc[0] + m_acc[1]) + (m_acc[2] + m_acc[3])
    acc_v[...] = m_vec
    pltpu.sync_copy(acc_v, out_hbm.at[wid])


_sc_mse = functools.partial(
    pl.kernel,
    mesh=plsc.VectorSubcoreMesh(core_axis_name="c", subcore_axis_name="s"),
    out_type=jax.ShapeDtypeStruct((NW, LANES), jnp.float32),
    scratch_types=[
        pltpu.VMEM((BPW,), jnp.int32),
        pltpu.VMEM((CH, D), jnp.float32),
        pltpu.VMEM((CH, D), jnp.float32),
        pltpu.VMEM((CH, D), jnp.float32),
        pltpu.VMEM((CH, D), jnp.float32),
        pltpu.VMEM((LANES,), jnp.float32),
        pltpu.SemaphoreType.DMA,
        pltpu.SemaphoreType.DMA,
        pltpu.SemaphoreType.DMA,
        pltpu.SemaphoreType.DMA,
    ],
)(_sc_body)


RB = 20000
GRID = V // RB


def _tc_var_body(cent_ref, s_ref, ss_ref, acc_ref):
    i = pl.program_id(0)

    @pl.when(i == 0)
    def _():
        acc_ref[...] = jnp.zeros_like(acc_ref)

    x = cent_ref[...]
    acc_ref[0:1, :] += jnp.sum(x, axis=0, keepdims=True)
    acc_ref[1:2, :] += jnp.sum(x * x, axis=0, keepdims=True)

    @pl.when(i == GRID - 1)
    def _():
        s_ref[0, 0] = jnp.sum(acc_ref[0:1, :])
        ss_ref[0, 0] = jnp.sum(acc_ref[1:2, :])


def _tc_var(centers):
    return pl.pallas_call(
        _tc_var_body,
        grid=(GRID,),
        in_specs=[pl.BlockSpec((RB, D), lambda i: (i, 0))],
        out_specs=[
            pl.BlockSpec(memory_space=pltpu.SMEM),
            pl.BlockSpec(memory_space=pltpu.SMEM),
        ],
        out_shape=[
            jax.ShapeDtypeStruct((1, 1), jnp.float32),
            jax.ShapeDtypeStruct((1, 1), jnp.float32),
        ],
        scratch_shapes=[pltpu.VMEM((2, D), jnp.float32)],
    )(centers)


def kernel(features, labels, centers):
    labels32 = labels.astype(jnp.int32)
    partials = _sc_mse(features, labels32, centers)
    s, ss = _tc_var(centers)
    loss = jnp.sum(partials) / (B * D)
    n = V * D
    total = s[0, 0]
    mean = total / n
    var = (ss[0, 0] - total * mean) / (n - 1)
    return (loss, var)

# --- scband reference (transcript-rebuilt; emitter-appended) ---
"""Pipeline reference for scband-center-loss-30709016166616 (READ-ONLY COPY).

The authoritative reference and input builder live on the scoring server;
editing this copy changes nothing except your own understanding.
"""

import jax, jax.numpy as jnp
import numpy as np

NUM_CLASSES = 100000
FEAT_DIM = 128
BATCH = 16384

def setup_inputs(seed: int = 0) -> dict:
    key = jax.random.key(seed)
    k1, k2, k3 = jax.random.split(key, 3)
    features = jax.random.normal(k1, (BATCH, FEAT_DIM), dtype=jnp.float32)
    labels = jax.random.randint(k2, (BATCH,), 0, NUM_CLASSES, dtype=jnp.int64)
    centers = jax.random.normal(k3, (NUM_CLASSES, FEAT_DIM), dtype=jnp.float32)
    return {"features": features, "labels": labels, "centers": centers}

def reference(features, labels, centers):
    # centers_batch = self.centers.index_select(0, labels)
    centers_batch = jnp.take(centers, labels, axis=0)
    # F.mse_loss with default 'mean' reduction
    diff = features - centers_batch
    loss = jnp.mean(diff * diff)
    # stats: center_variance = self.centers.var() (torch default unbiased var over all elements)
    n = centers.size
    center_variance = jnp.sum((centers - jnp.mean(centers)) ** 2) / (n - 1)
    return (loss, center_variance)

if __name__ == "__main__":
    import jax
    _d = setup_inputs()
    print(jax.jit(kernel)(*tuple(_d.values())))

</pallas_src>

<mosaic_0001>
#map = affine_map<(d0, d1) -> (0, 0)>
#map1 = affine_map<(d0, d1) -> (0)>
module attributes {stable_mosaic.version = 14 : i64} {
  func.func @_sc_body(%arg0: i32, %arg1: i32, %arg2: memref<16384x128xf32, #tpu.memory_space<hbm>>, %arg3: memref<16384xi32, #tpu.memory_space<hbm>>, %arg4: memref<100000x128xf32, #tpu.memory_space<hbm>>, %arg5: memref<32x16xf32, #tpu.memory_space<hbm>>, %arg6: memref<512xi32, #tpu.memory_space<vmem>>, %arg7: memref<128x128xf32, #tpu.memory_space<vmem>>, %arg8: memref<128x128xf32, #tpu.memory_space<vmem>>, %arg9: memref<128x128xf32, #tpu.memory_space<vmem>>, %arg10: memref<128x128xf32, #tpu.memory_space<vmem>>, %arg11: memref<16xf32, #tpu.memory_space<vmem>>, %arg12: memref<!tpu.dma_semaphore, #tpu.memory_space<semaphore_mem>>, %arg13: memref<!tpu.dma_semaphore, #tpu.memory_space<semaphore_mem>>, %arg14: memref<!tpu.dma_semaphore, #tpu.memory_space<semaphore_mem>>, %arg15: memref<!tpu.dma_semaphore, #tpu.memory_space<semaphore_mem>>) attributes {dimension_semantics = [#tpu.dimension_semantics<core_parallel>, #tpu.dimension_semantics<subcore_parallel>], iteration_bounds = array<i64: 2, 16>, scalar_prefetch = 0 : i64, scratch_operands = 10 : i64, tpu.core_type = #tpu.core_type<sc_vector_subcore>, window_params = [{transform_indices = #map}, {transform_indices = #map1}, {transform_indices = #map}, {transform_indices = #map}]} {
    %mul3A = arith.constant 2 : i32
    %mul3A_0 = arith.muli %arg1, %mul3A : i32
    %add3A = arith.addi %mul3A_0, %arg0 : i32
    %mul3A_1 = arith.constant 512 : i32
    %mul3A_2 = arith.muli %add3A, %mul3A_1 : i32
    "tpu.region"() ({
      %run_scoped3A = tpu.sem_alloc : memref<!tpu.dma_semaphore, #tpu.memory_space<semaphore_mem>>
      %dma_start3A_111 = tpu.memref_slice %arg3[%mul3A_2] : memref<16384xi32, #tpu.memory_space<hbm>> -> memref<512xi32, #tpu.memory_space<hbm>>
      %dma_start3A_112 = tpu.memref_slice %arg3[%mul3A_2] : memref<16384xi32, #tpu.memory_space<hbm>> -> memref<512xi32, #tpu.memory_space<hbm>>
      tpu.enqueue_dma source(%dma_start3A_112 : memref<512xi32, #tpu.memory_space<hbm>>) target(%arg6 : memref<512xi32, #tpu.memory_space<vmem>>) target_semaphore(%run_scoped3A : memref<!tpu.dma_semaphore, #tpu.memory_space<semaphore_mem>>)
      %dma_wait3A_113 = tpu.memref_slice %arg3[%mul3A_2] : memref<16384xi32, #tpu.memory_space<hbm>> -> memref<512xi32, #tpu.memory_space<hbm>>
      %dma_wait3A_114 = tpu.memref_slice %arg3[%mul3A_2] : memref<16384xi32, #tpu.memory_space<hbm>> -> memref<512xi32, #tpu.memory_space<hbm>>
      tpu.wait_dma2 semaphore(%run_scoped3A : memref<!tpu.dma_semaphore, #tpu.memory_space<semaphore_mem>>) src(%dma_wait3A_114 : memref<512xi32, #tpu.memory_space<hbm>>) dst(%arg6 : memref<512xi32, #tpu.memory_space<vmem>>)
      tpu.yield
    }) : () -> ()
    %dma_start3A = arith.constant 0 : i32
    %dma_start3A_3 = tpu.memref_slice %arg6[%dma_start3A] : memref<512xi32, #tpu.memory_space<vmem>> -> memref<128xi32, #tpu.memory_space<vmem>>
    %dma_start3A_4 = arith.constant 0 : i32
    %dma_start3A_5 = arith.constant 0 : i32
    %dma_start3A_6 = tpu.memref_slice %arg4[%dma_start3A_4, %dma_start3A_5] : memref<100000x128xf32, #tpu.memory_space<hbm>> -> memref<100000x128xf32, #tpu.memory_space<hbm>>
    tpu.enqueue_indirect_dma source(%dma_start3A_6 : memref<100000x128xf32, #tpu.memory_space<hbm>>) target(%arg7 : memref<128x128xf32, #tpu.memory_space<vmem>>) offsets(%dma_start3A_3 : memref<128xi32, #tpu.memory_space<vmem>>) semaphore(%arg12 : memref<!tpu.dma_semaphore, #tpu.memory_space<semaphore_mem>>)
    %add3A_7 = arith.constant 0 : i32
    %add3A_8 = arith.addi %mul3A_2, %add3A_7 : i32
    %dma_start3A_9 = arith.constant 0 : i32
    %dma_start3A_10 = tpu.memref_slice %arg2[%add3A_8, %dma_start3A_9] : memref<16384x128xf32, #tpu.memory_space<hbm>> -> memref<128x128xf32, #tpu.memory_space<hbm>>
    %dma_start3A_11 = arith.constant 0 : i32
    %dma_start3A_12 = tpu.memref_slice %arg2[%add3A_8, %dma_start3A_11] : memref<16384x128xf32, #tpu.memory_space<hbm>> -> memref<128x128xf32, #tpu.memory_space<hbm>>
    tpu.enqueue_dma source(%dma_start3A_12 : memref<128x128xf32, #tpu.memory_space<hbm>>) target(%arg9 : memref<128x128xf32, #tpu.memory_space<vmem>>) target_semaphore(%arg14 : memref<!tpu.dma_semaphore, #tpu.memory_space<semaphore_mem>>)
    %dma_start3A_13 = arith.constant 128 : i32
    %dma_start3A_14 = tpu.memref_slice %arg6[%dma_start3A_13] : memref<512xi32, #tpu.memory_space<vmem>> -> memref<128xi32, #tpu.memory_space<vmem>>
    %dma_start3A_15 = arith.constant 0 : i32
    %dma_start3A_16 = arith.constant 0 : i32
    %dma_start3A_17 = tpu.memref_slice %arg4[%dma_start3A_15, %dma_start3A_16] : memref<100000x128xf32, #tpu.memory_space<hbm>> -> memref<100000x128xf32, #tpu.memory_space<hbm>>
    tpu.enqueue_indirect_dma source(%dma_start3A_17 : memref<100000x128xf32, #tpu.memory_space<hbm>>) target(%arg8 : memref<128x128xf32, #tpu.memory_space<vmem>>) offsets(%dma_start3A_14 : memref<128xi32, #tpu.memory_space<vmem>>) semaphore(%arg13 : memref<!tpu.dma_semaphore, #tpu.memory_space<semaphore_mem>>)
    %add3A_18 = arith.constant 128 : i32
    %add3A_19 = arith.addi %mul3A_2, %add3A_18 : i32
    %dma_start3A_20 = arith.constant 0 : i32
    %dma_start3A_21 = tpu.memref_slice %arg2[%add3A_19, %dma_start3A_20] : memref<16384x128xf32, #tpu.memory_space<hbm>> -> memref<128x128xf32, #tpu.memory_space<hbm>>
    %dma_start3A_22 = arith.constant 0 : i32
    %dma_start3A_23 = tpu.memref_slice %arg2[%add3A_19, %dma_start3A_22] : memref<16384x128xf32, #tpu.memory_space<hbm>> -> memref<128x128xf32, #tpu.memory_space<hbm>>
    tpu.enqueue_dma source(%dma_start3A_23 : memref<128x128xf32, #tpu.memory_space<hbm>>) target(%arg10 : memref<128x128xf32, #tpu.memory_space<vmem>>) target_semaphore(%arg15 : memref<!tpu.dma_semaphore, #tpu.memory_space<semaphore_mem>>)
    %broadcast_in_dim3A = arith.constant 0.000000e+00 : f32
    %broadcast_in_dim3A_24 = vector.broadcast %broadcast_in_dim3A : f32 to vector<16xf32>
    %dma_wait3A = arith.constant 0 : i32
    %dma_wait3A_25 = tpu.memref_slice %arg6[%dma_wait3A] : memref<512xi32, #tpu.memory_space<vmem>> -> memref<128xi32, #tpu.memory_space<vmem>>
    %dma_wait3A_26 = arith.constant 0 : i32
    %dma_wait3A_27 = arith.constant 0 : i32
    %dma_wait3A_28 = tpu.memref_slice %arg4[%dma_wait3A_26, %dma_wait3A_27] : memref<100000x128xf32, #tpu.memory_space<hbm>> -> memref<100000x128xf32, #tpu.memory_space<hbm>>
    tpu.wait_indirect_dma semaphore(%arg12 : memref<!tpu.dma_semaphore, #tpu.memory_space<semaphore_mem>>) src(%dma_wait3A_28 : memref<100000x128xf32, #tpu.memory_space<hbm>>) dst(%arg7 : memref<128x128xf32, #tpu.memory_space<vmem>>)
    %dma_wait3A_29 = arith.constant 0 : i32
    %dma_wait3A_30 = tpu.memref_slice %arg2[%add3A_8, %dma_wait3A_29] : memref<16384x128xf32, #tpu.memory_space<hbm>> -> memref<128x128xf32, #tpu.memory_space<hbm>>
    %dma_wait3A_31 = arith.constant 0 : i32
    %dma_wait3A_32 = tpu.memref_slice %arg2[%add3A_8, %dma_wait3A_31] : memref<16384x128xf32, #tpu.memory_space<hbm>> -> memref<128x128xf32, #tpu.memory_space<hbm>>
    tpu.wait_dma2 semaphore(%arg14 : memref<!tpu.dma_semaphore, #tpu.memory_space<semaphore_mem>>) src(%dma_wait3A_32 : memref<128x128xf32, #tpu.memory_space<hbm>>) dst(%arg9 : memref<128x128xf32, #tpu.memory_space<vmem>>)
    %scan3A = arith.constant 0 : i32
    %scan3A_33 = arith.constant 64 : i32
    %scan3A_34 = arith.addi %scan3A, %scan3A_33 : i32
    %scan3A_35 = arith.constant 1 : i32
    %scan3A_36:4 = scf.for %scan3A_111 = %scan3A to %scan3A_34 step %scan3A_35 iter_args(%scan3A_112 = %broadcast_in_dim3A_24, %scan3A_113 = %broadcast_in_dim3A_24, %scan3A_114 = %broadcast_in_dim3A_24, %scan3A_115 = %broadcast_in_dim3A_24) -> (vector<16xf32>, vector<16xf32>, vector<16xf32>, vector<16xf32>)  : i32 {
      %mul3A_116 = arith.constant 2 : i32
      %mul3A_117 = arith.muli %scan3A_111, %mul3A_116 : i32
      %add3A_118 = arith.constant 0 : i32
      %add3A_119 = arith.addi %mul3A_117, %add3A_118 : i32
      %get3A = arith.index_cast %add3A_119 : i32 to index
      %get3A_120 = arith.constant 0 : index
      %get3A_121 = tpu.vector_load %arg9[%get3A, %get3A_120] {strides = array<i32>} : memref<128x128xf32, #tpu.memory_space<vmem>>, vector<1x16xf32>,
      %get3A_122 = vector.shape_cast %get3A_121 : vector<1x16xf32> to vector<16xf32>
      %add3A_123 = arith.constant 0 : i32
      %add3A_124 = arith.addi %mul3A_117, %add3A_123 : i32
      %get3A_125 = arith.index_cast %add3A_124 : i32 to index
      %get3A_126 = arith.constant 0 : index
      %get3A_127 = tpu.vector_load %arg7[%get3A_125, %get3A_126] {strides = array<i32>} : memref<128x128xf32, #tpu.memory_space<vmem>>, vector<1x16xf32>,
      %get3A_128 = vector.shape_cast %get3A_127 : vector<1x16xf32> to vector<16xf32>
      %sub3A = arith.subf %get3A_122, %get3A_128 : vector<16xf32>
      %mul3A_129 = arith.mulf %sub3A, %sub3A : vector<16xf32>
      %add3A_130 = arith.addf %scan3A_112, %mul3A_129 : vector<16xf32>
      %add3A_131 = arith.constant 0 : i32
      %add3A_132 = arith.addi %mul3A_117, %add3A_131 : i32
      %get3A_133 = arith.index_cast %add3A_132 : i32 to index
      %get3A_134 = arith.constant 16 : index
      %get3A_135 = tpu.vector_load %arg9[%get3A_133, %get3A_134] {strides = array<i32>} : memref<128x128xf32, #tpu.memory_space<vmem>>, vector<1x16xf32>,
      %get3A_136 = vector.shape_cast %get3A_135 : vector<1x16xf32> to vector<16xf32>
      %add3A_137 = arith.constant 0 : i32
      %add3A_138 = arith.addi %mul3A_117, %add3A_137 : i32
      %get3A_139 = arith.index_cast %add3A_138 : i32 to index
      %get3A_140 = arith.constant 16 : index
      %get3A_141 = tpu.vector_load %arg7[%get3A_139, %get3A_140] {strides = array<i32>} : memref<128x128xf32, #tpu.memory_space<vmem>>, vector<1x16xf32>,
      %get3A_142 = vector.shape_cast %get3A_141 : vector<1x16xf32> to vector<16xf32>
      %sub3A_143 = arith.subf %get3A_136, %get3A_142 : vector<16xf32>
      %mul3A_144 = arith.mulf %sub3A_143, %sub3A_143 : vector<16xf32>
      %add3A_145 = arith.addf %scan3A_113, %mul3A_144 : vector<16xf32>
      %add3A_146 = arith.constant 0 : i32
      %add3A_147 = arith.addi %mul3A_117, %add3A_146 : i32
      %get3A_148 = arith.index_cast %add3A_147 : i32 to index
      %get3A_149 = arith.constant 32 : index
      %get3A_150 = tpu.vector_load %arg9[%get3A_148, %get3A_149] {strides = array<i32>} : memref<128x128xf32, #tpu.memory_space<vmem>>, vector<1x16xf32>,
      %get3A_151 = vector.shape_cast %get3A_150 : vector<1x16xf32> to vector<16xf32>
      %add3A_152 = arith.constant 0 : i32
      %add3A_153 = arith.addi %mul3A_117, %add3A_152 : i32
      %get3A_154 = arith.index_cast %add3A_153 : i32 to index
      %get3A_155 = arith.constant 32 : index
      %get3A_156 = tpu.vector_load %arg7[%get3A_154, %get3A_155] {strides = array<i32>} : memref<128x128xf32, #tpu.memory_space<vmem>>, vector<1x16xf32>,
      %get3A_157 = vector.shape_cast %get3A_156 : vector<1x16xf32> to vector<16xf32>
      %sub3A_158 = arith.subf %get3A_151, %get3A_157 : vector<16xf32>
      %mul3A_159 = arith.mulf %sub3A_158, %sub3A_158 : vector<16xf32>
      %add3A_160 = arith.addf %scan3A_114, %mul3A_159 : vector<16xf32>
      %add3A_161 = arith.constant 0 : i32
      %add3A_162 = arith.addi %mul3A_117, %add3A_161 : i32
      %get3A_163 = arith.index_cast %add3A_162 : i32 to index
      %get3A_164 = arith.constant 48 : index
      %get3A_165 = tpu.vector_load %arg9[%get3A_163, %get3A_164] {strides = array<i32>} : memref<128x128xf32, #tpu.memory_space<vmem>>, vector<1x16xf32>,
      %get3A_166 = vector.shape_cast %get3A_165 : vector<1x16xf32> to vector<16xf32>
      %add3A_167 = arith.constant 0 : i32
      %add3A_168 = arith.addi %mul3A_117, %add3A_167 : i32
      %get3A_169 = arith.index_cast %add3A_168 : i32 to index
      %get3A_170 = arith.constant 48 : index
      %get3A_171 = tpu.vector_load %arg7[%get3A_169, %get3A_170] {strides = array<i32>} : memref<128x128xf32, #tpu.memory_space<vmem>>, vector<1x16xf32>,
      %get3A_172 = vector.shape_cast %get3A_171 : vector<1x16xf32> to vector<16xf32>
      %sub3A_173 = arith.subf %get3A_166, %get3A_172 : vector<16xf32>
      %mul3A_174 = arith.mulf %sub3A_173, %sub3A_173 : vector<16xf32>
      %add3A_175 = arith.addf %scan3A_115, %mul3A_174 : vector<16xf32>
      %add3A_176 = arith.constant 0 : i32
      %add3A_177 = arith.addi %mul3A_117, %add3A_176 : i32
      %get3A_178 = arith.index_cast %add3A_177 : i32 to index
      %get3A_179 = arith.constant 64 : index
      %get3A_180 = tpu.vector_load %arg9[%get3A_178, %get3A_179] {strides = array<i32>} : memref<128x128xf32, #tpu.memory_space<vmem>>, vector<1x16xf32>,
      %get3A_181 = vector.shape_cast %get3A_180 : vector<1x16xf32> to vector<16xf32>
      %add3A_182 = arith.constant 0 : i32
      %add3A_183 = arith.addi %mul3A_117, %add3A_182 : i32
      %get3A_184 = arith.index_cast %add3A_183 : i32 to index
      %get3A_185 = arith.constant 64 : index
      %get3A_186 = tpu.vector_load %arg7[%get3A_184, %get3A_185] {strides = array<i32>} : memref<128x128xf32, #tpu.memory_space<vmem>>, vector<1x16xf32>,
      %get3A_187 = vector.shape_cast %get3A_186 : vector<1x16xf32> to vector<16xf32>
      %sub3A_188 = arith.subf %get3A_181, %get3A_187 : vector<16xf32>
      %mul3A_189 = arith.mulf %sub3A_188, %sub3A_188 : vector<16xf32>
      %add3A_190 = arith.addf %add3A_130, %mul3A_189 : vector<16xf32>
      %add3A_191 = arith.constant 0 : i32
      %add3A_192 = arith.addi %mul3A_117, %add3A_191 : i32
      %get3A_193 = arith.index_cast %add3A_192 : i32 to index
      %get3A_194 = arith.constant 80 : index
      %get3A_195 = tpu.vector_load %arg9[%get3A_193, %get3A_194] {strides = array<i32>} : memref<128x128xf32, #tpu.memory_space<vmem>>, vector<1x16xf32>,
      %get3A_196 = vector.shape_cast %get3A_195 : vector<1x16xf32> to vector<16xf32>
      %add3A_197 = arith.constant 0 : i32
      %add3A_198 = arith.addi %mul3A_117, %add3A_197 : i32
      %get3A_199 = arith.index_cast %add3A_198 : i32 to index
      %get3A_200 = arith.constant 80 : index
      %get3A_201 = tpu.vector_load %arg7[%get3A_199, %get3A_200] {strides = array<i32>} : memref<128x128xf32, #tpu.memory_space<vmem>>, vector<1x16xf32>,
      %get3A_202 = vector.shape_cast %get3A_201 : vector<1x16xf32> to vector<16xf32>
      %sub3A_203 = arith.subf %get3A_196, %get3A_202 : vector<16xf32>
      %mul3A_204 = arith.mulf %sub3A_203, %sub3A_203 : vector<16xf32>
      %add3A_205 = arith.addf %add3A_145, %mul3A_204 : vector<16xf32>
      %add3A_206 = arith.constant 0 : i32
      %add3A_207 = arith.addi %mul3A_117, %add3A_206 : i32
      %get3A_208 = arith.index_cast %add3A_207 : i32 to index
      %get3A_209 = arith.constant 96 : index
      %get3A_210 = tpu.vector_load %arg9[%get3A_208, %get3A_209] {strides = array<i32>} : memref<128x128xf32, #tpu.memory_space<vmem>>, vector<1x16xf32>,
      %get3A_211 = vector.shape_cast %get3A_210 : vector<1x16xf32> to vector<16xf32>
      %add3A_212 = arith.constant 0 : i32
      %add3A_213 = arith.addi %mul3A_117, %add3A_212 : i32
      %get3A_214 = arith.index_cast %add3A_213 : i32 to index
      %get3A_215 = arith.constant 96 : index
      %get3A_216 = tpu.vector_load %arg7[%get3A_214, %get3A_215] {strides = array<i32>} : memref<128x128xf32, #tpu.memory_space<vmem>>, vector<1x16xf32>,
      %get3A_217 = vector.shape_cast %get3A_216 : vector<1x16xf32> to vector<16xf32>
      %sub3A_218 = arith.subf %get3A_211, %get3A_217 : vector<16xf32>
      %mul3A_219 = arith.mulf %sub3A_218, %sub3A_218 : vector<16xf32>
      %add3A_220 = arith.addf %add3A_160, %mul3A_219 : vector<16xf32>
      %add3A_221 = arith.constant 0 : i32
      %add3A_222 = arith.addi %mul3A_117, %add3A_221 : i32
      %get3A_223 = arith.index_cast %add3A_222 : i32 to index
      %get3A_224 = arith.constant 112 : index
      %get3A_225 = tpu.vector_load %arg9[%get3A_223, %get3A_224] {strides = array<i32>} : memref<128x128xf32, #tpu.memory_space<vmem>>, vector<1x16xf32>,
      %get3A_226 = vector.shape_cast %get3A_225 : vector<1x16xf32> to vector<16xf32>
      %add3A_227 = arith.constant 0 : i32
      %add3A_228 = arith.addi %mul3A_117, %add3A_227 : i32
      %get3A_229 = arith.index_cast %add3A_228 : i32 to index
      %get3A_230 = arith.constant 112 : index
      %get3A_231 = tpu.vector_load %arg7[%get3A_229, %get3A_230] {strides = array<i32>} : memref<128x128xf32, #tpu.memory_space<vmem>>, vector<1x16xf32>,
      %get3A_232 = vector.shape_cast %get3A_231 : vector<1x16xf32> to vector<16xf32>
      %sub3A_233 = arith.subf %get3A_226, %get3A_232 : vector<16xf32>
      %mul3A_234 = arith.mulf %sub3A_233, %sub3A_233 : vector<16xf32>
      %add3A_235 = arith.addf %add3A_175, %mul3A_234 : vector<16xf32>
      %add3A_236 = arith.constant 1 : i32
      %add3A_237 = arith.addi %mul3A_117, %add3A_236 : i32
      %get3A_238 = arith.index_cast %add3A_237 : i32 to index
      %get3A_239 = arith.constant 0 : index
      %get3A_240 = tpu.vector_load %arg9[%get3A_238, %get3A_239] {strides = array<i32>} : memref<128x128xf32, #tpu.memory_space<vmem>>, vector<1x16xf32>,
      %get3A_241 = vector.shape_cast %get3A_240 : vector<1x16xf32> to vector<16xf32>
      %add3A_242 = arith.constant 1 : i32
      %add3A_243 = arith.addi %mul3A_117, %add3A_242 : i32
      %get3A_244 = arith.index_cast %add3A_243 : i32 to index
      %get3A_245 = arith.constant 0 : index
      %get3A_246 = tpu.vector_load %arg7[%get3A_244, %get3A_245] {strides = array<i32>} : memref<128x128xf32, #tpu.memory_space<vmem>>, vector<1x16xf32>,
      %get3A_247 = vector.shape_cast %get3A_246 : vector<1x16xf32> to vector<16xf32>
      %sub3A_248 = arith.subf %get3A_241, %get3A_247 : vector<16xf32>
      %mul3A_249 = arith.mulf %sub3A_248, %sub3A_248 : vector<16xf32>
      %add3A_250 = arith.addf %add3A_190, %mul3A_249 : vector<16xf32>
      %add3A_251 = arith.constant 1 : i32
      %add3A_252 = arith.addi %mul3A_117, %add3A_251 : i32
      %get3A_253 = arith.index_cast %add3A_252 : i32 to index
      %get3A_254 = arith.constant 16 : index
      %get3A_255 = tpu.vector_load %arg9[%get3A_253, %get3A_254] {strides = array<i32>} : memref<128x128xf32, #tpu.memory_space<vmem>>, vector<1x16xf32>,
      %get3A_256 = vector.shape_cast %get3A_255 : vector<1x16xf32> to vector<16xf32>
      %add3A_257 = arith.constant 1 : i32
      %add3A_258 = arith.addi %mul3A_117, %add3A_257 : i32
      %get3A_259 = arith.index_cast %add3A_258 : i32 to index
      %get3A_260 = arith.constant 16 : index
      %get3A_261 = tpu.vector_load %arg7[%get3A_259, %get3A_260] {strides = array<i32>} : memref<128x128xf32, #tpu.memory_space<vmem>>, vector<1x16xf32>,
      %get3A_262 = vector.shape_cast %get3A_261 : vector<1x16xf32> to vector<16xf32>
      %sub3A_263 = arith.subf %get3A_256, %get3A_262 : vector<16xf32>
      %mul3A_264 = arith.mulf %sub3A_263, %sub3A_263 : vector<16xf32>
      %add3A_265 = arith.addf %add3A_205, %mul3A_264 : vector<16xf32>
      %add3A_266 = arith.constant 1 : i32
      %add3A_267 = arith.addi %mul3A_117, %add3A_266 : i32
      %get3A_268 = arith.index_cast %add3A_267 : i32 to index
      %get3A_269 = arith.constant 32 : index
      %get3A_270 = tpu.vector_load %arg9[%get3A_268, %get3A_269] {strides = array<i32>} : memref<128x128xf32, #tpu.memory_space<vmem>>, vector<1x16xf32>,
      %get3A_271 = vector.shape_cast %get3A_270 : vector<1x16xf32> to vector<16xf32>
      %add3A_272 = arith.constant 1 : i32
      %add3A_273 = arith.addi %mul3A_117, %add3A_272 : i32
      %get3A_274 = arith.index_cast %add3A_273 : i32 to index
      %get3A_275 = arith.constant 32 : index
      %get3A_276 = tpu.vector_load %arg7[%get3A_274, %get3A_275] {strides = array<i32>} : memref<128x128xf32, #tpu.memory_space<vmem>>, vector<1x16xf32>,
      %get3A_277 = vector.shape_cast %get3A_276 : vector<1x16xf32> to vector<16xf32>
      %sub3A_278 = arith.subf %get3A_271, %get3A_277 : vector<16xf32>
      %mul3A_279 = arith.mulf %sub3A_278, %sub3A_278 : vector<16xf32>
      %add3A_280 = arith.addf %add3A_220, %mul3A_279 : vector<16xf32>
      %add3A_281 = arith.constant 1 : i32
      %add3A_282 = arith.addi %mul3A_117, %add3A_281 : i32
      %get3A_283 = arith.index_cast %add3A_282 : i32 to index
      %get3A_284 = arith.constant 48 : index
      %get3A_285 = tpu.vector_load %arg9[%get3A_283, %get3A_284] {strides = array<i32>} : memref<128x128xf32, #tpu.memory_space<vmem>>, vector<1x16xf32>,
      %get3A_286 = vector.shape_cast %get3A_285 : vector<1x16xf32> to vector<16xf32>
      %add3A_287 = arith.constant 1 : i32
      %add3A_288 = arith.addi %mul3A_117, %add3A_287 : i32
      %get3A_289 = arith.index_cast %add3A_288 : i32 to index
      %get3A_290 = arith.constant 48 : index
      %get3A_291 = tpu.vector_load %arg7[%get3A_289, %get3A_290] {strides = array<i32>} : memref<128x128xf32, #tpu.memory_space<vmem>>, vector<1x16xf32>,
      %get3A_292 = vector.shape_cast %get3A_291 : vector<1x16xf32> to vector<16xf32>
      %sub3A_293 = arith.subf %get3A_286, %get3A_292 : vector<16xf32>
      %mul3A_294 = arith.mulf %sub3A_293, %sub3A_293 : vector<16xf32>
      %add3A_295 = arith.addf %add3A_235, %mul3A_294 : vector<16xf32>
      %add3A_296 = arith.constant 1 : i32
      %add3A_297 = arith.addi %mul3A_117, %add3A_296 : i32
      %get3A_298 = arith.index_cast %add3A_297 : i32 to index
      %get3A_299 = arith.constant 64 : index
      %get3A_300 = tpu.vector_load %arg9[%get3A_298, %get3A_299] {strides = array<i32>} : memref<128x128xf32, #tpu.memory_space<vmem>>, vector<1x16xf32>,
      %get3A_301 = vector.shape_cast %get3A_300 : vector<1x16xf32> to vector<16xf32>
      %add3A_302 = arith.constant 1 : i32
      %add3A_303 = arith.addi %mul3A_117, %add3A_302 : i32
      %get3A_304 = arith.index_cast %add3A_303 : i32 to index
      %get3A_305 = arith.constant 64 : index
      %get3A_306 = tpu.vector_load %arg7[%get3A_304, %get3A_305] {strides = array<i32>} : memref<128x128xf32, #tpu.memory_space<vmem>>, vector<1x16xf32>,
      %get3A_307 = vector.shape_cast %get3A_306 : vector<1x16xf32> to vector<16xf32>
      %sub3A_308 = arith.subf %get3A_301, %get3A_307 : vector<16xf32>
      %mul3A_309 = arith.mulf %sub3A_308, %sub3A_308 : vector<16xf32>
      %add3A_310 = arith.addf %add3A_250, %mul3A_309 : vector<16xf32>
      %add3A_311 = arith.constant 1 : i32
      %add3A_312 = arith.addi %mul3A_117, %add3A_311 : i32
      %get3A_313 = arith.index_cast %add3A_312 : i32 to index
      %get3A_314 = arith.constant 80 : index
      %get3A_315 = tpu.vector_load %arg9[%get3A_313, %get3A_314] {strides = array<i32>} : memref<128x128xf32, #tpu.memory_space<vmem>>, vector<1x16xf32>,
      %get3A_316 = vector.shape_cast %get3A_315 : vector<1x16xf32> to vector<16xf32>
      %add3A_317 = arith.constant 1 : i32
      %add3A_318 = arith.addi %mul3A_117, %add3A_317 : i32
      %get3A_319 = arith.index_cast %add3A_318 : i32 to index
      %get3A_320 = arith.constant 80 : index
      %get3A_321 = tpu.vector_load %arg7[%get3A_319, %get3A_320] {strides = array<i32>} : memref<128x128xf32, #tpu.memory_space<vmem>>, vector<1x16xf32>,
      %get3A_322 = vector.shape_cast %get3A_321 : vector<1x16xf32> to vector<16xf32>
      %sub3A_323 = arith.subf %get3A_316, %get3A_322 : vector<16xf32>
      %mul3A_324 = arith.mulf %sub3A_323, %sub3A_323 : vector<16xf32>
      %add3A_325 = arith.addf %add3A_265, %mul3A_324 : vector<16xf32>
      %add3A_326 = arith.constant 1 : i32
      %add3A_327 = arith.addi %mul3A_117, %add3A_326 : i32
      %get3A_328 = arith.index_cast %add3A_327 : i32 to index
      %get3A_329 = arith.constant 96 : index
      %get3A_330 = tpu.vector_load %arg9[%get3A_328, %get3A_329] {strides = array<i32>} : memref<128x128xf32, #tpu.memory_space<vmem>>, vector<1x16xf32>,
      %get3A_331 = vector.shape_cast %get3A_330 : vector<1x16xf32> to vector<16xf32>
      %add3A_332 = arith.constant 1 : i32
      %add3A_333 = arith.addi %mul3A_117, %add3A_332 : i32
      %get3A_334 = arith.index_cast %add3A_333 : i32 to index
      %get3A_335 = arith.constant 96 : index
      %get3A_336 = tpu.vector_load %arg7[%get3A_334, %get3A_335] {strides = array<i32>} : memref<128x128xf32, #tpu.memory_space<vmem>>, vector<1x16xf32>,
      %get3A_337 = vector.shape_cast %get3A_336 : vector<1x16xf32> to vector<16xf32>
      %sub3A_338 = arith.subf %get3A_331, %get3A_337 : vector<16xf32>
      %mul3A_339 = arith.mulf %sub3A_338, %sub3A_338 : vector<16xf32>
      %add3A_340 = arith.addf %add3A_280, %mul3A_339 : vector<16xf32>
      %add3A_341 = arith.constant 1 : i32
      %add3A_342 = arith.addi %mul3A_117, %add3A_341 : i32
      %get3A_343 = arith.index_cast %add3A_342 : i32 to index
      %get3A_344 = arith.constant 112 : index
      %get3A_345 = tpu.vector_load %arg9[%get3A_343, %get3A_344] {strides = array<i32>} : memref<128x128xf32, #tpu.memory_space<vmem>>, vector<1x16xf32>,
      %get3A_346 = vector.shape_cast %get3A_345 : vector<1x16xf32> to vector<16xf32>
      %add3A_347 = arith.constant 1 : i32
      %add3A_348 = arith.addi %mul3A_117, %add3A_347 : i32
      %get3A_349 = arith.index_cast %add3A_348 : i32 to index
      %get3A_350 = arith.constant 112 : index
      %get3A_351 = tpu.vector_load %arg7[%get3A_349, %get3A_350] {strides = array<i32>} : memref<128x128xf32, #tpu.memory_space<vmem>>, vector<1x16xf32>,
      %get3A_352 = vector.shape_cast %get3A_351 : vector<1x16xf32> to vector<16xf32>
      %sub3A_353 = arith.subf %get3A_346, %get3A_352 : vector<16xf32>
      %mul3A_354 = arith.mulf %sub3A_353, %sub3A_353 : vector<16xf32>
      %add3A_355 = arith.addf %add3A_295, %mul3A_354 : vector<16xf32>
      scf.yield %add3A_310, %add3A_325, %add3A_340, %add3A_355 : vector<16xf32>, vector<16xf32>, vector<16xf32>, vector<16xf32>
    }
    %scan3A_37 = arith.constant 64 : i32
    %dma_start3A_38 = arith.constant 256 : i32
    %dma_start3A_39 = tpu.memref_slice %arg6[%dma_start3A_38] : memref<512xi32, #tpu.memory_space<vmem>> -> memref<128xi32, #tpu.memory_space<vmem>>
    %dma_start3A_40 = arith.constant 0 : i32
    %dma_start3A_41 = arith.constant 0 : i32
    %dma_start3A_42 = tpu.memref_slice %arg4[%dma_start3A_40, %dma_start3A_41] : memref<100000x128xf32, #tpu.memory_space<hbm>> -> memref<100000x128xf32, #tpu.memory_space<hbm>>
    tpu.enqueue_indirect_dma source(%dma_start3A_42 : memref<100000x128xf32, #tpu.memory_space<hbm>>) target(%arg7 : memref<128x128xf32, #tpu.memory_space<vmem>>) offsets(%dma_start3A_39 : memref<128xi32, #tpu.memory_space<vmem>>) semaphore(%arg12 : memref<!tpu.dma_semaphore, #tpu.memory_space<semaphore_mem>>)
    %add3A_43 = arith.constant 256 : i32
    %add3A_44 = arith.addi %mul3A_2, %add3A_43 : i32
    %dma_start3A_45 = arith.constant 0 : i32
    %dma_start3A_46 = tpu.memref_slice %arg2[%add3A_44, %dma_start3A_45] : memref<16384x128xf32, #tpu.memory_space<hbm>> -> memref<128x128xf32, #tpu.memory_space<hbm>>
    %dma_start3A_47 = arith.constant 0 : i32
    %dma_start3A_48 = tpu.memref_slice %arg2[%add3A_44, %dma_start3A_47] : memref<16384x128xf32, #tpu.memory_space<hbm>> -> memref<128x128xf32, #tpu.memory_space<hbm>>
    tpu.enqueue_dma source(%dma_start3A_48 : memref<128x128xf32, #tpu.memory_space<hbm>>) target(%arg9 : memref<128x128xf32, #tpu.memory_space<vmem>>) target_semaphore(%arg14 : memref<!tpu.dma_semaphore, #tpu.memory_space<semaphore_mem>>)
    %dma_wait3A_49 = arith.constant 128 : i32
    %dma_wait3A_50 = tpu.memref_slice %arg6[%dma_wait3A_49] : memref<512xi32, #tpu.memory_space<vmem>> -> memref<128xi32, #tpu.memory_space<vmem>>
    %dma_wait3A_51 = arith.constant 0 : i32
    %dma_wait3A_52 = arith.constant 0 : i32
    %dma_wait3A_53 = tpu.memref_slice %arg4[%dma_wait3A_51, %dma_wait3A_52] : memref<100000x128xf32, #tpu.memory_space<hbm>> -> memref<100000x128xf32, #tpu.memory_space<hbm>>
    tpu.wait_indirect_dma semaphore(%arg13 : memref<!tpu.dma_semaphore, #tpu.memory_space<semaphore_mem>>) src(%dma_wait3A_53 : memref<100000x128xf32, #tpu.memory_space<hbm>>) dst(%arg8 : memref<128x128xf32, #tpu.memory_space<vmem>>)
    %dma_wait3A_54 = arith.constant 0 : i32
    %dma_wait3A_55 = tpu.memref_slice %arg2[%add3A_19, %dma_wait3A_54] : memref<16384x128xf32, #tpu.memory_space<hbm>> -> memref<128x128xf32, #tpu.memory_space<hbm>>
    %dma_wait3A_56 = arith.constant 0 : i32
    %dma_wait3A_57 = tpu.memref_slice %arg2[%add3A_19, %dma_wait3A_56] : memref<16384x128xf32, #tpu.memory_space<hbm>> -> memref<128x128xf32, #tpu.memory_space<hbm>>
    tpu.wait_dma2 semaphore(%arg15 : memref<!tpu.dma_semaphore, #tpu.memory_space<semaphore_mem>>) src(%dma_wait3A_57 : memref<128x128xf32, #tpu.memory_space<hbm>>) dst(%arg10 : memref<128x128xf32, #tpu.memory_space<vmem>>)
    %scan3A_58 = arith.constant 0 : i32
    %scan3A_59 = arith.constant 64 : i32
    %scan3A_60 = arith.addi %scan3A_58, %scan3A_59 : i32
    %scan3A_61 = arith.constant 1 : i32
    %scan3A_62:4 = scf.for %scan3A_111 = %scan3A_58 to %scan3A_60 step %scan3A_61 iter_args(%scan3A_112 = %scan3A_36#0, %scan3A_113 = %scan3A_36#1, %scan3A_114 = %scan3A_36#2, %scan3A_115 = %scan3A_36#3) -> (vector<16xf32>, vector<16xf32>, vector<16xf32>, vector<16xf32>)  : i32 {
      %mul3A_116 = arith.constant 2 : i32
      %mul3A_117 = arith.muli %scan3A_111, %mul3A_116 : i32
      %add3A_118 = arith.constant 0 : i32
      %add3A_119 = arith.addi %mul3A_117, %add3A_118 : i32
      %get3A = arith.index_cast %add3A_119 : i32 to index
      %get3A_120 = arith.constant 0 : index
      %get3A_121 = tpu.vector_load %arg10[%get3A, %get3A_120] {strides = array<i32>} : memref<128x128xf32, #tpu.memory_space<vmem>>, vector<1x16xf32>,
      %get3A_122 = vector.shape_cast %get3A_121 : vector<1x16xf32> to vector<16xf32>
      %add3A_123 = arith.constant 0 : i32
      %add3A_124 = arith.addi %mul3A_117, %add3A_123 : i32
      %get3A_125 = arith.index_cast %add3A_124 : i32 to index
      %get3A_126 = arith.constant 0 : index
      %get3A_127 = tpu.vector_load %arg8[%get3A_125, %get3A_126] {strides = array<i32>} : memref<128x128xf32, #tpu.memory_space<vmem>>, vector<1x16xf32>,
      %get3A_128 = vector.shape_cast %get3A_127 : vector<1x16xf32> to vector<16xf32>
      %sub3A = arith.subf %get3A_122, %get3A_128 : vector<16xf32>
      %mul3A_129 = arith.mulf %sub3A, %sub3A : vector<16xf32>
      %add3A_130 = arith.addf %scan3A_112, %mul3A_129 : vector<16xf32>
      %add3A_131 = arith.constant 0 : i32
      %add3A_132 = arith.addi %mul3A_117, %add3A_131 : i32
      %get3A_133 = arith.index_cast %add3A_132 : i32 to index
      %get3A_134 = arith.constant 16 : index
      %get3A_135 = tpu.vector_load %arg10[%get3A_133, %get3A_134] {strides = array<i32>} : memref<128x128xf32, #tpu.memory_space<vmem>>, vector<1x16xf32>,
      %get3A_136 = vector.shape_cast %get3A_135 : vector<1x16xf32> to vector<16xf32>
      %add3A_137 = arith.constant 0 : i32
      %add3A_138 = arith.addi %mul3A_117, %add3A_137 : i32
      %get3A_139 = arith.index_cast %add3A_138 : i32 to index
      %get3A_140 = arith.constant 16 : index
      %get3A_141 = tpu.vector_load %arg8[%get3A_139, %get3A_140] {strides = array<i32>} : memref<128x128xf32, #tpu.memory_space<vmem>>, vector<1x16xf32>,
      %get3A_142 = vector.shape_cast %get3A_141 : vector<1x16xf32> to vector<16xf32>
      %sub3A_143 = arith.subf %get3A_136, %get3A_142 : vector<16xf32>
      %mul3A_144 = arith.mulf %sub3A_143, %sub3A_143 : vector<16xf32>
      %add3A_145 = arith.addf %scan3A_113, %mul3A_144 : vector<16xf32>
      %add3A_146 = arith.constant 0 : i32
      %add3A_147 = arith.addi %mul3A_117, %add3A_146 : i32
      %get3A_148 = arith.index_cast %add3A_147 : i32 to index
      %get3A_149 = arith.constant 32 : index
      %get3A_150 = tpu.vector_load %arg10[%get3A_148, %get3A_149] {strides = array<i32>} : memref<128x128xf32, #tpu.memory_space<vmem>>, vector<1x16xf32>,
      %get3A_151 = vector.shape_cast %get3A_150 : vector<1x16xf32> to vector<16xf32>
      %add3A_152 = arith.constant 0 : i32
      %add3A_153 = arith.addi %mul3A_117, %add3A_152 : i32
      %get3A_154 = arith.index_cast %add3A_153 : i32 to index
      %get3A_155 = arith.constant 32 : index
      %get3A_156 = tpu.vector_load %arg8[%get3A_154, %get3A_155] {strides = array<i32>} : memref<128x128xf32, #tpu.memory_space<vmem>>, vector<1x16xf32>,
      %get3A_157 = vector.shape_cast %get3A_156 : vector<1x16xf32> to vector<16xf32>
      %sub3A_158 = arith.subf %get3A_151, %get3A_157 : vector<16xf32>
      %mul3A_159 = arith.mulf %sub3A_158, %sub3A_158 : vector<16xf32>
      %add3A_160 = arith.addf %scan3A_114, %mul3A_159 : vector<16xf32>
      %add3A_161 = arith.constant 0 : i32
      %add3A_162 = arith.addi %mul3A_117, %add3A_161 : i32
      %get3A_163 = arith.index_cast %add3A_162 : i32 to index
      %get3A_164 = arith.constant 48 : index
      %get3A_165 = tpu.vector_load %arg10[%get3A_163, %get3A_164] {strides = array<i32>} : memref<128x128xf32, #tpu.memory_space<vmem>>, vector<1x16xf32>,
      %get3A_166 = vector.shape_cast %get3A_165 : vector<1x16xf32> to vector<16xf32>
      %add3A_167 = arith.constant 0 : i32
      %add3A_168 = arith.addi %mul3A_117, %add3A_167 : i32
      %get3A_169 = arith.index_cast %add3A_168 : i32 to index
      %get3A_170 = arith.constant 48 : index
      %get3A_171 = tpu.vector_load %arg8[%get3A_169, %get3A_170] {strides = array<i32>} : memref<128x128xf32, #tpu.memory_space<vmem>>, vector<1x16xf32>,
      %get3A_172 = vector.shape_cast %get3A_171 : vector<1x16xf32> to vector<16xf32>
      %sub3A_173 = arith.subf %get3A_166, %get3A_172 : vector<16xf32>
      %mul3A_174 = arith.mulf %sub3A_173, %sub3A_173 : vector<16xf32>
      %add3A_175 = arith.addf %scan3A_115, %mul3A_174 : vector<16xf32>
      %add3A_176 = arith.constant 0 : i32
      %add3A_177 = arith.addi %mul3A_117, %add3A_176 : i32
      %get3A_178 = arith.index_cast %add3A_177 : i32 to index
      %get3A_179 = arith.constant 64 : index
      %get3A_180 = tpu.vector_load %arg10[%get3A_178, %get3A_179] {strides = array<i32>} : memref<128x128xf32, #tpu.memory_space<vmem>>, vector<1x16xf32>,
      %get3A_181 = vector.shape_cast %get3A_180 : vector<1x16xf32> to vector<16xf32>
      %add3A_182 = arith.constant 0 : i32
      %add3A_183 = arith.addi %mul3A_117, %add3A_182 : i32
      %get3A_184 = arith.index_cast %add3A_183 : i32 to index
      %get3A_185 = arith.constant 64 : index
      %get3A_186 = tpu.vector_load %arg8[%get3A_184, %get3A_185] {strides = array<i32>} : memref<128x128xf32, #tpu.memory_space<vmem>>, vector<1x16xf32>,
      %get3A_187 = vector.shape_cast %get3A_186 : vector<1x16xf32> to vector<16xf32>
      %sub3A_188 = arith.subf %get3A_181, %get3A_187 : vector<16xf32>
      %mul3A_189 = arith.mulf %sub3A_188, %sub3A_188 : vector<16xf32>
      %add3A_190 = arith.addf %add3A_130, %mul3A_189 : vector<16xf32>
      %add3A_191 = arith.constant 0 : i32
      %add3A_192 = arith.addi %mul3A_117, %add3A_191 : i32
      %get3A_193 = arith.index_cast %add3A_192 : i32 to index
      %get3A_194 = arith.constant 80 : index
      %get3A_195 = tpu.vector_load %arg10[%get3A_193, %get3A_194] {strides = array<i32>} : memref<128x128xf32, #tpu.memory_space<vmem>>, vector<1x16xf32>,
      %get3A_196 = vector.shape_cast %get3A_195 : vector<1x16xf32> to vector<16xf32>
      %add3A_197 = arith.constant 0 : i32
      %add3A_198 = arith.addi %mul3A_117, %add3A_197 : i32
      %get3A_199 = arith.index_cast %add3A_198 : i32 to index
      %get3A_200 = arith.constant 80 : index
      %get3A_201 = tpu.vector_load %arg8[%get3A_199, %get3A_200] {strides = array<i32>} : memref<128x128xf32, #tpu.memory_space<vmem>>, vector<1x16xf32>,
      %get3A_202 = vector.shape_cast %get3A_201 : vector<1x16xf32> to vector<16xf32>
      %sub3A_203 = arith.subf %get3A_196, %get3A_202 : vector<16xf32>
      %mul3A_204 = arith.mulf %sub3A_203, %sub3A_203 : vector<16xf32>
      %add3A_205 = arith.addf %add3A_145, %mul3A_204 : vector<16xf32>
      %add3A_206 = arith.constant 0 : i32
      %add3A_207 = arith.addi %mul3A_117, %add3A_206 : i32
      %get3A_208 = arith.index_cast %add3A_207 : i32 to index
      %get3A_209 = arith.constant 96 : index
      %get3A_210 = tpu.vector_load %arg10[%get3A_208, %get3A_209] {strides = array<i32>} : memref<128x128xf32, #tpu.memory_space<vmem>>, vector<1x16xf32>,
      %get3A_211 = vector.shape_cast %get3A_210 : vector<1x16xf32> to vector<16xf32>
      %add3A_212 = arith.constant 0 : i32
      %add3A_213 = arith.addi %mul3A_117, %add3A_212 : i32
      %get3A_214 = arith.index_cast %add3A_213 : i32 to index
      %get3A_215 = arith.constant 96 : index
      %get3A_216 = tpu.vector_load %arg8[%get3A_214, %get3A_215] {strides = array<i32>} : memref<128x128xf32, #tpu.memory_space<vmem>>, vector<1x16xf32>,
      %get3A_217 = vector.shape_cast %get3A_216 : vector<1x16xf32> to vector<16xf32>
      %sub3A_218 = arith.subf %get3A_211, %get3A_217 : vector<16xf32>
      %mul3A_219 = arith.mulf %sub3A_218, %sub3A_218 : vector<16xf32>
      %add3A_220 = arith.addf %add3A_160, %mul3A_219 : vector<16xf32>
      %add3A_221 = arith.constant 0 : i32
      %add3A_222 = arith.addi %mul3A_117, %add3A_221 : i32
      %get3A_223 = arith.index_cast %add3A_222 : i32 to index
      %get3A_224 = arith.constant 112 : index
      %get3A_225 = tpu.vector_load %arg10[%get3A_223, %get3A_224] {strides = array<i32>} : memref<128x128xf32, #tpu.memory_space<vmem>>, vector<1x16xf32>,
      %get3A_226 = vector.shape_cast %get3A_225 : vector<1x16xf32> to vector<16xf32>
      %add3A_227 = arith.constant 0 : i32
      %add3A_228 = arith.addi %mul3A_117, %add3A_227 : i32
      %get3A_229 = arith.index_cast %add3A_228 : i32 to index
      %get3A_230 = arith.constant 112 : index
      %get3A_231 = tpu.vector_load %arg8[%get3A_229, %get3A_230] {strides = array<i32>} : memref<128x128xf32, #tpu.memory_space<vmem>>, vector<1x16xf32>,
      %get3A_232 = vector.shape_cast %get3A_231 : vector<1x16xf32> to vector<16xf32>
      %sub3A_233 = arith.subf %get3A_226, %get3A_232 : vector<16xf32>
      %mul3A_234 = arith.mulf %sub3A_233, %sub3A_233 : vector<16xf32>
      %add3A_235 = arith.addf %add3A_175, %mul3A_234 : vector<16xf32>
      %add3A_236 = arith.constant 1 : i32
      %add3A_237 = arith.addi %mul3A_117, %add3A_236 : i32
      %get3A_238 = arith.index_cast %add3A_237 : i32 to index
      %get3A_239 = arith.constant 0 : index
      %get3A_240 = tpu.vector_load %arg10[%get3A_238, %get3A_239] {strides = array<i32>} : memref<128x128xf32, #tpu.memory_space<vmem>>, vector<1x16xf32>,
      %get3A_241 = vector.shape_cast %get3A_240 : vector<1x16xf32> to vector<16xf32>
      %add3A_242 = arith.constant 1 : i32
      %add3A_243 = arith.addi %mul3A_117, %add3A_242 : i32
      %get3A_244 = arith.index_cast %add3A_243 : i32 to index
      %get3A_245 = arith.constant 0 : index
      %get3A_246 = tpu.vector_load %arg8[%get3A_244, %get3A_245] {strides = array<i32>} : memref<128x128xf32, #tpu.memory_space<vmem>>, vector<1x16xf32>,
      %get3A_247 = vector.shape_cast %get3A_246 : vector<1x16xf32> to vector<16xf32>
      %sub3A_248 = arith.subf %get3A_241, %get3A_247 : vector<16xf32>
      %mul3A_249 = arith.mulf %sub3A_248, %sub3A_248 : vector<16xf32>
      %add3A_250 = arith.addf %add3A_190, %mul3A_249 : vector<16xf32>
      %add3A_251 = arith.constant 1 : i32
      %add3A_252 = arith.addi %mul3A_117, %add3A_251 : i32
      %get3A_253 = arith.index_cast %add3A_252 : i32 to index
      %get3A_254 = arith.constant 16 : index
      %get3A_255 = tpu.vector_load %arg10[%get3A_253, %get3A_254] {strides = array<i32>} : memref<128x128xf32, #tpu.memory_space<vmem>>, vector<1x16xf32>,
      %get3A_256 = vector.shape_cast %get3A_255 : vector<1x16xf32> to vector<16xf32>
      %add3A_257 = arith.constant 1 : i32
      %add3A_258 = arith.addi %mul3A_117, %add3A_257 : i32
      %get3A_259 = arith.index_cast %add3A_258 : i32 to index
      %get3A_260 = arith.constant 16 : index
      %get3A_261 = tpu.vector_load %arg8[%get3A_259, %get3A_260] {strides = array<i32>} : memref<128x128xf32, #tpu.memory_space<vmem>>, vector<1x16xf32>,
      %get3A_262 = vector.shape_cast %get3A_261 : vector<1x16xf32> to vector<16xf32>
      %sub3A_263 = arith.subf %get3A_256, %get3A_262 : vector<16xf32>
      %mul3A_264 = arith.mulf %sub3A_263, %sub3A_263 : vector<16xf32>
      %add3A_265 = arith.addf %add3A_205, %mul3A_264 : vector<16xf32>
      %add3A_266 = arith.constant 1 : i32
      %add3A_267 = arith.addi %mul3A_117, %add3A_266 : i32
      %get3A_268 = arith.index_cast %add3A_267 : i32 to index
      %get3A_269 = arith.constant 32 : index
      %get3A_270 = tpu.vector_load %arg10[%get3A_268, %get3A_269] {strides = array<i32>} : memref<128x128xf32, #tpu.memory_space<vmem>>, vector<1x16xf32>,
      %get3A_271 = vector.shape_cast %get3A_270 : vector<1x16xf32> to vector<16xf32>
      %add3A_272 = arith.constant 1 : i32
      %add3A_273 = arith.addi %mul3A_117, %add3A_272 : i32
      %get3A_274 = arith.index_cast %add3A_273 : i32 to index
      %get3A_275 = arith.constant 32 : index
      %get3A_276 = tpu.vector_load %arg8[%get3A_274, %get3A_275] {strides = array<i32>} : memref<128x128xf32, #tpu.memory_space<vmem>>, vector<1x16xf32>,
      %get3A_277 = vector.shape_cast %get3A_276 : vector<1x16xf32> to vector<16xf32>
      %sub3A_278 = arith.subf %get3A_271, %get3A_277 : vector<16xf32>
      %mul3A_279 = arith.mulf %sub3A_278, %sub3A_278 : vector<16xf32>
      %add3A_280 = arith.addf %add3A_220, %mul3A_279 : vector<16xf32>
      %add3A_281 = arith.constant 1 : i32
      %add3A_282 = arith.addi %mul3A_117, %add3A_281 : i32
      %get3A_283 = arith.index_cast %add3A_282 : i32 to index
      %get3A_284 = arith.constant 48 : index
      %get3A_285 = tpu.vector_load %arg10[%get3A_283, %get3A_284] {strides = array<i32>} : memref<128x128xf32, #tpu.memory_space<vmem>>, vector<1x16xf32>,
      %get3A_286 = vector.shape_cast %get3A_285 : vector<1x16xf32> to vector<16xf32>
      %add3A_287 = arith.constant 1 : i32
      %add3A_288 = arith.addi %mul3A_117, %add3A_287 : i32
      %get3A_289 = arith.index_cast %add3A_288 : i32 to index
      %get3A_290 = arith.constant 48 : index
      %get3A_291 = tpu.vector_load %arg8[%get3A_289, %get3A_290] {strides = array<i32>} : memref<128x128xf32, #tpu.memory_space<vmem>>, vector<1x16xf32>,
      %get3A_292 = vector.shape_cast %get3A_291 : vector<1x16xf32> to vector<16xf32>
      %sub3A_293 = arith.subf %get3A_286, %get3A_292 : vector<16xf32>
      %mul3A_294 = arith.mulf %sub3A_293, %sub3A_293 : vector<16xf32>
      %add3A_295 = arith.addf %add3A_235, %mul3A_294 : vector<16xf32>
      %add3A_296 = arith.constant 1 : i32
      %add3A_297 = arith.addi %mul3A_117, %add3A_296 : i32
      %get3A_298 = arith.index_cast %add3A_297 : i32 to index
      %get3A_299 = arith.constant 64 : index
      %get3A_300 = tpu.vector_load %arg10[%get3A_298, %get3A_299] {strides = array<i32>} : memref<128x128xf32, #tpu.memory_space<vmem>>, vector<1x16xf32>,
      %get3A_301 = vector.shape_cast %get3A_300 : vector<1x16xf32> to vector<16xf32>
      %add3A_302 = arith.constant 1 : i32
      %add3A_303 = arith.addi %mul3A_117, %add3A_302 : i32
      %get3A_304 = arith.index_cast %add3A_303 : i32 to index
      %get3A_305 = arith.constant 64 : index
      %get3A_306 = tpu.vector_load %arg8[%get3A_304, %get3A_305] {strides = array<i32>} : memref<128x128xf32, #tpu.memory_space<vmem>>, vector<1x16xf32>,
      %get3A_307 = vector.shape_cast %get3A_306 : vector<1x16xf32> to vector<16xf32>
      %sub3A_308 = arith.subf %get3A_301, %get3A_307 : vector<16xf32>
      %mul3A_309 = arith.mulf %sub3A_308, %sub3A_308 : vector<16xf32>
      %add3A_310 = arith.addf %add3A_250, %mul3A_309 : vector<16xf32>
      %add3A_311 = arith.constant 1 : i32
      %add3A_312 = arith.addi %mul3A_117, %add3A_311 : i32
      %get3A_313 = arith.index_cast %add3A_312 : i32 to index
      %get3A_314 = arith.constant 80 : index
      %get3A_315 = tpu.vector_load %arg10[%get3A_313, %get3A_314] {strides = array<i32>} : memref<128x128xf32, #tpu.memory_space<vmem>>, vector<1x16xf32>,
      %get3A_316 = vector.shape_cast %get3A_315 : vector<1x16xf32> to vector<16xf32>
      %add3A_317 = arith.constant 1 : i32
      %add3A_318 = arith.addi %mul3A_117, %add3A_317 : i32
      %get3A_319 = arith.index_cast %add3A_318 : i32 to index
      %get3A_320 = arith.constant 80 : index
      %get3A_321 = tpu.vector_load %arg8[%get3A_319, %get3A_320] {strides = array<i32>} : memref<128x128xf32, #tpu.memory_space<vmem>>, vector<1x16xf32>,
      %get3A_322 = vector.shape_cast %get3A_321 : vector<1x16xf32> to vector<16xf32>
      %sub3A_323 = arith.subf %get3A_316, %get3A_322 : vector<16xf32>
      %mul3A_324 = arith.mulf %sub3A_323, %sub3A_323 : vector<16xf32>
      %add3A_325 = arith.addf %add3A_265, %mul3A_324 : vector<16xf32>
      %add3A_326 = arith.constant 1 : i32
      %add3A_327 = arith.addi %mul3A_117, %add3A_326 : i32
      %get3A_328 = arith.index_cast %add3A_327 : i32 to index
      %get3A_329 = arith.constant 96 : index
      %get3A_330 = tpu.vector_load %arg10[%get3A_328, %get3A_329] {strides = array<i32>} : memref<128x128xf32, #tpu.memory_space<vmem>>, vector<1x16xf32>,
      %get3A_331 = vector.shape_cast %get3A_330 : vector<1x16xf32> to vector<16xf32>
      %add3A_332 = arith.constant 1 : i32
      %add3A_333 = arith.addi %mul3A_117, %add3A_332 : i32
      %get3A_334 = arith.index_cast %add3A_333 : i32 to index
      %get3A_335 = arith.constant 96 : index
      %get3A_336 = tpu.vector_load %arg8[%get3A_334, %get3A_335] {strides = array<i32>} : memref<128x128xf32, #tpu.memory_space<vmem>>, vector<1x16xf32>,
      %get3A_337 = vector.shape_cast %get3A_336 : vector<1x16xf32> to vector<16xf32>
      %sub3A_338 = arith.subf %get3A_331, %get3A_337 : vector<16xf32>
      %mul3A_339 = arith.mulf %sub3A_338, %sub3A_338 : vector<16xf32>
      %add3A_340 = arith.addf %add3A_280, %mul3A_339 : vector<16xf32>
      %add3A_341 = arith.constant 1 : i32
      %add3A_342 = arith.addi %mul3A_117, %add3A_341 : i32
      %get3A_343 = arith.index_cast %add3A_342 : i32 to index
      %get3A_344 = arith.constant 112 : index
      %get3A_345 = tpu.vector_load %arg10[%get3A_343, %get3A_344] {strides = array<i32>} : memref<128x128xf32, #tpu.memory_space<vmem>>, vector<1x16xf32>,
      %get3A_346 = vector.shape_cast %get3A_345 : vector<1x16xf32> to vector<16xf32>
      %add3A_347 = arith.constant 1 : i32
      %add3A_348 = arith.addi %mul3A_117, %add3A_347 : i32
      %get3A_349 = arith.index_cast %add3A_348 : i32 to index
      %get3A_350 = arith.constant 112 : index
      %get3A_351 = tpu.vector_load %arg8[%get3A_349, %get3A_350] {strides = array<i32>} : memref<128x128xf32, #tpu.memory_space<vmem>>, vector<1x16xf32>,
      %get3A_352 = vector.shape_cast %get3A_351 : vector<1x16xf32> to vector<16xf32>
      %sub3A_353 = arith.subf %get3A_346, %get3A_352 : vector<16xf32>
      %mul3A_354 = arith.mulf %sub3A_353, %sub3A_353 : vector<16xf32>
      %add3A_355 = arith.addf %add3A_295, %mul3A_354 : vector<16xf32>
      scf.yield %add3A_310, %add3A_325, %add3A_340, %add3A_355 : vector<16xf32>, vector<16xf32>, vector<16xf32>, vector<16xf32>
    }
    %scan3A_63 = arith.constant 64 : i32
    %dma_start3A_64 = arith.constant 384 : i32
    %dma_start3A_65 = tpu.memref_slice %arg6[%dma_start3A_64] : memref<512xi32, #tpu.memory_space<vmem>> -> memref<128xi32, #tpu.memory_space<vmem>>
    %dma_start3A_66 = arith.constant 0 : i32
    %dma_start3A_67 = arith.constant 0 : i32
    %dma_start3A_68 = tpu.memref_slice %arg4[%dma_start3A_66, %dma_start3A_67] : memref<100000x128xf32, #tpu.memory_space<hbm>> -> memref<100000x128xf32, #tpu.memory_space<hbm>>
    tpu.enqueue_indirect_dma source(%dma_start3A_68 : memref<100000x128xf32, #tpu.memory_space<hbm>>) target(%arg8 : memref<128x128xf32, #tpu.memory_space<vmem>>) offsets(%dma_start3A_65 : memref<128xi32, #tpu.memory_space<vmem>>) semaphore(%arg13 : memref<!tpu.dma_semaphore, #tpu.memory_space<semaphore_mem>>)
    %add3A_69 = arith.constant 384 : i32
    %add3A_70 = arith.addi %mul3A_2, %add3A_69 : i32
    %dma_start3A_71 = arith.constant 0 : i32
    %dma_start3A_72 = tpu.memref_slice %arg2[%add3A_70, %dma_start3A_71] : memref<16384x128xf32, #tpu.memory_space<hbm>> -> memref<128x128xf32, #tpu.memory_space<hbm>>
    %dma_start3A_73 = arith.constant 0 : i32
    %dma_start3A_74 = tpu.memref_slice %arg2[%add3A_70, %dma_start3A_73] : memref<16384x128xf32, #tpu.memory_space<hbm>> -> memref<128x128xf32, #tpu.memory_space<hbm>>
    tpu.enqueue_dma source(%dma_start3A_74 : memref<128x128xf32, #tpu.memory_space<hbm>>) target(%arg10 : memref<128x128xf32, #tpu.memory_space<vmem>>) target_semaphore(%arg15 : memref<!tpu.dma_semaphore, #tpu.memory_space<semaphore_mem>>)
    %dma_wait3A_75 = arith.constant 256 : i32
    %dma_wait3A_76 = tpu.memref_slice %arg6[%dma_wait3A_75] : memref<512xi32, #tpu.memory_space<vmem>> -> memref<128xi32, #tpu.memory_space<vmem>>
    %dma_wait3A_77 = arith.constant 0 : i32
    %dma_wait3A_78 = arith.constant 0 : i32
    %dma_wait3A_79 = tpu.memref_slice %arg4[%dma_wait3A_77, %dma_wait3A_78] : memref<100000x128xf32, #tpu.memory_space<hbm>> -> memref<100000x128xf32, #tpu.memory_space<hbm>>
    tpu.wait_indirect_dma semaphore(%arg12 : memref<!tpu.dma_semaphore, #tpu.memory_space<semaphore_mem>>) src(%dma_wait3A_79 : memref<100000x128xf32, #tpu.memory_space<hbm>>) dst(%arg7 : memref<128x128xf32, #tpu.memory_space<vmem>>)
    %dma_wait3A_80 = arith.constant 0 : i32
    %dma_wait3A_81 = tpu.memref_slice %arg2[%add3A_44, %dma_wait3A_80] : memref<16384x128xf32, #tpu.memory_space<hbm>> -> memref<128x128xf32, #tpu.memory_space<hbm>>
    %dma_wait3A_82 = arith.constant 0 : i32
    %dma_wait3A_83 = tpu.memref_slice %arg2[%add3A_44, %dma_wait3A_82] : memref<16384x128xf32, #tpu.memory_space<hbm>> -> memref<128x128xf32, #tpu.memory_space<hbm>>
    tpu.wait_dma2 semaphore(%arg14 : memref<!tpu.dma_semaphore, #tpu.memory_space<semaphore_mem>>) src(%dma_wait3A_83 : memref<128x128xf32, #tpu.memory_space<hbm>>) dst(%arg9 : memref<128x128xf32, #tpu.memory_space<vmem>>)
    %scan3A_84 = arith.constant 0 : i32
    %scan3A_85 = arith.constant 64 : i32
    %scan3A_86 = arith.addi %scan3A_84, %scan3A_85 : i32
    %scan3A_87 = arith.constant 1 : i32
    %scan3A_88:4 = scf.for %scan3A_111 = %scan3A_84 to %scan3A_86 step %scan3A_87 iter_args(%scan3A_112 = %scan3A_62#0, %scan3A_113 = %scan3A_62#1, %scan3A_114 = %scan3A_62#2, %scan3A_115 = %scan3A_62#3) -> (vector<16xf32>, vector<16xf32>, vector<16xf32>, vector<16xf32>)  : i32 {
      %mul3A_116 = arith.constant 2 : i32
      %mul3A_117 = arith.muli %scan3A_111, %mul3A_116 : i32
      %add3A_118 = arith.constant 0 : i32
      %add3A_119 = arith.addi %mul3A_117, %add3A_118 : i32
      %get3A = arith.index_cast %add3A_119 : i32 to index
      %get3A_120 = arith.constant 0 : index
      %get3A_121 = tpu.vector_load %arg9[%get3A, %get3A_120] {strides = array<i32>} : memref<128x128xf32, #tpu.memory_space<vmem>>, vector<1x16xf32>,
      %get3A_122 = vector.shape_cast %get3A_121 : vector<1x16xf32> to vector<16xf32>
      %add3A_123 = arith.constant 0 : i32
      %add3A_124 = arith.addi %mul3A_117, %add3A_123 : i32
      %get3A_125 = arith.index_cast %add3A_124 : i32 to index
      %get3A_126 = arith.constant 0 : index
      %get3A_127 = tpu.vector_load %arg7[%get3A_125, %get3A_126] {strides = array<i32>} : memref<128x128xf32, #tpu.memory_space<vmem>>, vector<1x16xf32>,
      %get3A_128 = vector.shape_cast %get3A_127 : vector<1x16xf32> to vector<16xf32>
      %sub3A = arith.subf %get3A_122, %get3A_128 : vector<16xf32>
      %mul3A_129 = arith.mulf %sub3A, %sub3A : vector<16xf32>
      %add3A_130 = arith.addf %scan3A_112, %mul3A_129 : vector<16xf32>
      %add3A_131 = arith.constant 0 : i32
      %add3A_132 = arith.addi %mul3A_117, %add3A_131 : i32
      %get3A_133 = arith.index_cast %add3A_132 : i32 to index
      %get3A_134 = arith.constant 16 : index
      %get3A_135 = tpu.vector_load %arg9[%get3A_133, %get3A_134] {strides = array<i32>} : memref<128x128xf32, #tpu.memory_space<vmem>>, vector<1x16xf32>,
      %get3A_136 = vector.shape_cast %get3A_135 : vector<1x16xf32> to vector<16xf32>
      %add3A_137 = arith.constant 0 : i32
      %add3A_138 = arith.addi %mul3A_117, %add3A_137 : i32
      %get3A_139 = arith.index_cast %add3A_138 : i32 to index
      %get3A_140 = arith.constant 16 : index
      %get3A_141 = tpu.vector_load %arg7[%get3A_139, %get3A_140] {strides = array<i32>} : memref<128x128xf32, #tpu.memory_space<vmem>>, vector<1x16xf32>,
      %get3A_142 = vector.shape_cast %get3A_141 : vector<1x16xf32> to vector<16xf32>
      %sub3A_143 = arith.subf %get3A_136, %get3A_142 : vector<16xf32>
      %mul3A_144 = arith.mulf %sub3A_143, %sub3A_143 : vector<16xf32>
      %add3A_145 = arith.addf %scan3A_113, %mul3A_144 : vector<16xf32>
      %add3A_146 = arith.constant 0 : i32
      %add3A_147 = arith.addi %mul3A_117, %add3A_146 : i32
      %get3A_148 = arith.index_cast %add3A_147 : i32 to index
      %get3A_149 = arith.constant 32 : index
      %get3A_150 = tpu.vector_load %arg9[%get3A_148, %get3A_149] {strides = array<i32>} : memref<128x128xf32, #tpu.memory_space<vmem>>, vector<1x16xf32>,
      %get3A_151 = vector.shape_cast %get3A_150 : vector<1x16xf32> to vector<16xf32>
      %add3A_152 = arith.constant 0 : i32
      %add3A_153 = arith.addi %mul3A_117, %add3A_152 : i32
      %get3A_154 = arith.index_cast %add3A_153 : i32 to index
      %get3A_155 = arith.constant 32 : index
      %get3A_156 = tpu.vector_load %arg7[%get3A_154, %get3A_155] {strides = array<i32>} : memref<128x128xf32, #tpu.memory_space<vmem>>, vector<1x16xf32>,
      %get3A_157 = vector.shape_cast %get3A_156 : vector<1x16xf32> to vector<16xf32>
      %sub3A_158 = arith.subf %get3A_151, %get3A_157 : vector<16xf32>
      %mul3A_159 = arith.mulf %sub3A_158, %sub3A_158 : vector<16xf32>
      %add3A_160 = arith.addf %scan3A_114, %mul3A_159 : vector<16xf32>
      %add3A_161 = arith.constant 0 : i32
      %add3A_162 = arith.addi %mul3A_117, %add3A_161 : i32
      %get3A_163 = arith.index_cast %add3A_162 : i32 to index
      %get3A_164 = arith.constant 48 : index
      %get3A_165 = tpu.vector_load %arg9[%get3A_163, %get3A_164] {strides = array<i32>} : memref<128x128xf32, #tpu.memory_space<vmem>>, vector<1x16xf32>,
      %get3A_166 = vector.shape_cast %get3A_165 : vector<1x16xf32> to vector<16xf32>
      %add3A_167 = arith.constant 0 : i32
      %add3A_168 = arith.addi %mul3A_117, %add3A_167 : i32
      %get3A_169 = arith.index_cast %add3A_168 : i32 to index
      %get3A_170 = arith.constant 48 : index
      %get3A_171 = tpu.vector_load %arg7[%get3A_169, %get3A_170] {strides = array<i32>} : memref<128x128xf32, #tpu.memory_space<vmem>>, vector<1x16xf32>,
      %get3A_172 = vector.shape_cast %get3A_171 : vector<1x16xf32> to vector<16xf32>
      %sub3A_173 = arith.subf %get3A_166, %get3A_172 : vector<16xf32>
      %mul3A_174 = arith.mulf %sub3A_173, %sub3A_173 : vector<16xf32>
      %add3A_175 = arith.addf %scan3A_115, %mul3A_174 : vector<16xf32>
      %add3A_176 = arith.constant 0 : i32
      %add3A_177 = arith.addi %mul3A_117, %add3A_176 : i32
      %get3A_178 = arith.index_cast %add3A_177 : i32 to index
      %get3A_179 = arith.constant 64 : index
      %get3A_180 = tpu.vector_load %arg9[%get3A_178, %get3A_179] {strides = array<i32>} : memref<128x128xf32, #tpu.memory_space<vmem>>, vector<1x16xf32>,
      %get3A_181 = vector.shape_cast %get3A_180 : vector<1x16xf32> to vector<16xf32>
      %add3A_182 = arith.constant 0 : i32
      %add3A_183 = arith.addi %mul3A_117, %add3A_182 : i32
      %get3A_184 = arith.index_cast %add3A_183 : i32 to index
      %get3A_185 = arith.constant 64 : index
      %get3A_186 = tpu.vector_load %arg7[%get3A_184, %get3A_185] {strides = array<i32>} : memref<128x128xf32, #tpu.memory_space<vmem>>, vector<1x16xf32>,
      %get3A_187 = vector.shape_cast %get3A_186 : vector<1x16xf32> to vector<16xf32>
      %sub3A_188 = arith.subf %get3A_181, %get3A_187 : vector<16xf32>
      %mul3A_189 = arith.mulf %sub3A_188, %sub3A_188 : vector<16xf32>
      %add3A_190 = arith.addf %add3A_130, %mul3A_189 : vector<16xf32>
      %add3A_191 = arith.constant 0 : i32
      %add3A_192 = arith.addi %mul3A_117, %add3A_191 : i32
      %get3A_193 = arith.index_cast %add3A_192 : i32 to index
      %get3A_194 = arith.constant 80 : index
      %get3A_195 = tpu.vector_load %arg9[%get3A_193, %get3A_194] {strides = array<i32>} : memref<128x128xf32, #tpu.memory_space<vmem>>, vector<1x16xf32>,
      %get3A_196 = vector.shape_cast %get3A_195 : vector<1x16xf32> to vector<16xf32>
      %add3A_197 = arith.constant 0 : i32
      %add3A_198 = arith.addi %mul3A_117, %add3A_197 : i32
      %get3A_199 = arith.index_cast %add3A_198 : i32 to index
      %get3A_200 = arith.constant 80 : index
      %get3A_201 = tpu.vector_load %arg7[%get3A_199, %get3A_200] {strides = array<i32>} : memref<128x128xf32, #tpu.memory_space<vmem>>, vector<1x16xf32>,
      %get3A_202 = vector.shape_cast %get3A_201 : vector<1x16xf32> to vector<16xf32>
      %sub3A_203 = arith.subf %get3A_196, %get3A_202 : vector<16xf32>
      %mul3A_204 = arith.mulf %sub3A_203, %sub3A_203 : vector<16xf32>
      %add3A_205 = arith.addf %add3A_145, %mul3A_204 : vector<16xf32>
      %add3A_206 = arith.constant 0 : i32
      %add3A_207 = arith.addi %mul3A_117, %add3A_206 : i32
      %get3A_208 = arith.index_cast %add3A_207 : i32 to index
      %get3A_209 = arith.constant 96 : index
      %get3A_210 = tpu.vector_load %arg9[%get3A_208, %get3A_209] {strides = array<i32>} : memref<128x128xf32, #tpu.memory_space<vmem>>, vector<1x16xf32>,
      %get3A_211 = vector.shape_cast %get3A_210 : vector<1x16xf32> to vector<16xf32>
      %add3A_212 = arith.constant 0 : i32
      %add3A_213 = arith.addi %mul3A_117, %add3A_212 : i32
      %get3A_214 = arith.index_cast %add3A_213 : i32 to index
      %get3A_215 = arith.constant 96 : index
      %get3A_216 = tpu.vector_load %arg7[%get3A_214, %get3A_215] {strides = array<i32>} : memref<128x128xf32, #tpu.memory_space<vmem>>, vector<1x16xf32>,
      %get3A_217 = vector.shape_cast %get3A_216 : vector<1x16xf32> to vector<16xf32>
      %sub3A_218 = arith.subf %get3A_211, %get3A_217 : vector<16xf32>
      %mul3A_219 = arith.mulf %sub3A_218, %sub3A_218 : vector<16xf32>
      %add3A_220 = arith.addf %add3A_160, %mul3A_219 : vector<16xf32>
      %add3A_221 = arith.constant 0 : i32
      %add3A_222 = arith.addi %mul3A_117, %add3A_221 : i32
      %get3A_223 = arith.index_cast %add3A_222 : i32 to index
      %get3A_224 = arith.constant 112 : index
      %get3A_225 = tpu.vector_load %arg9[%get3A_223, %get3A_224] {strides = array<i32>} : memref<128x128xf32, #tpu.memory_space<vmem>>, vector<1x16xf32>,
      %get3A_226 = vector.shape_cast %get3A_225 : vector<1x16xf32> to vector<16xf32>
      %add3A_227 = arith.constant 0 : i32
      %add3A_228 = arith.addi %mul3A_117, %add3A_227 : i32
      %get3A_229 = arith.index_cast %add3A_228 : i32 to index
      %get3A_230 = arith.constant 112 : index
      %get3A_231 = tpu.vector_load %arg7[%get3A_229, %get3A_230] {strides = array<i32>} : memref<128x128xf32, #tpu.memory_space<vmem>>, vector<1x16xf32>,
      %get3A_232 = vector.shape_cast %get3A_231 : vector<1x16xf32> to vector<16xf32>
      %sub3A_233 = arith.subf %get3A_226, %get3A_232 : vector<16xf32>
      %mul3A_234 = arith.mulf %sub3A_233, %sub3A_233 : vector<16xf32>
      %add3A_235 = arith.addf %add3A_175, %mul3A_234 : vector<16xf32>
      %add3A_236 = arith.constant 1 : i32
      %add3A_237 = arith.addi %mul3A_117, %add3A_236 : i32
      %get3A_238 = arith.index_cast %add3A_237 : i32 to index
      %get3A_239 = arith.constant 0 : index
      %get3A_240 = tpu.vector_load %arg9[%get3A_238, %get3A_239] {strides = array<i32>} : memref<128x128xf32, #tpu.memory_space<vmem>>, vector<1x16xf32>,
      %get3A_241 = vector.shape_cast %get3A_240 : vector<1x16xf32> to vector<16xf32>
      %add3A_242 = arith.constant 1 : i32
      %add3A_243 = arith.addi %mul3A_117, %add3A_242 : i32
      %get3A_244 = arith.index_cast %add3A_243 : i32 to index
      %get3A_245 = arith.constant 0 : index
      %get3A_246 = tpu.vector_load %arg7[%get3A_244, %get3A_245] {strides = array<i32>} : memref<128x128xf32, #tpu.memory_space<vmem>>, vector<1x16xf32>,
      %get3A_247 = vector.shape_cast %get3A_246 : vector<1x16xf32> to vector<16xf32>
      %sub3A_248 = arith.subf %get3A_241, %get3A_247 : vector<16xf32>
      %mul3A_249 = arith.mulf %sub3A_248, %sub3A_248 : vector<16xf32>
      %add3A_250 = arith.addf %add3A_190, %mul3A_249 : vector<16xf32>
      %add3A_251 = arith.constant 1 : i32
      %add3A_252 = arith.addi %mul3A_117, %add3A_251 : i32
      %get3A_253 = arith.index_cast %add3A_252 : i32 to index
      %get3A_254 = arith.constant 16 : index
      %get3A_255 = tpu.vector_load %arg9[%get3A_253, %get3A_254] {strides = array<i32>} : memref<128x128xf32, #tpu.memory_space<vmem>>, vector<1x16xf32>,
      %get3A_256 = vector.shape_cast %get3A_255 : vector<1x16xf32> to vector<16xf32>
      %add3A_257 = arith.constant 1 : i32
      %add3A_258 = arith.addi %mul3A_117, %add3A_257 : i32
      %get3A_259 = arith.index_cast %add3A_258 : i32 to index
      %get3A_260 = arith.constant 16 : index
      %get3A_261 = tpu.vector_load %arg7[%get3A_259, %get3A_260] {strides = array<i32>} : memref<128x128xf32, #tpu.memory_space<vmem>>, vector<1x16xf32>,
      %get3A_262 = vector.shape_cast %get3A_261 : vector<1x16xf32> to vector<16xf32>
      %sub3A_263 = arith.subf %get3A_256, %get3A_262 : vector<16xf32>
      %mul3A_264 = arith.mulf %sub3A_263, %sub3A_263 : vector<16xf32>
      %add3A_265 = arith.addf %add3A_205, %mul3A_264 : vector<16xf32>
      %add3A_266 = arith.constant 1 : i32
      %add3A_267 = arith.addi %mul3A_117, %add3A_266 : i32
      %get3A_268 = arith.index_cast %add3A_267 : i32 to index
      %get3A_269 = arith.constant 32 : index
      %get3A_270 = tpu.vector_load %arg9[%get3A_268, %get3A_269] {strides = array<i32>} : memref<128x128xf32, #tpu.memory_space<vmem>>, vector<1x16xf32>,
      %get3A_271 = vector.shape_cast %get3A_270 : vector<1x16xf32> to vector<16xf32>
      %add3A_272 = arith.constant 1 : i32
      %add3A_273 = arith.addi %mul3A_117, %add3A_272 : i32
      %get3A_274 = arith.index_cast %add3A_273 : i32 to index
      %get3A_275 = arith.constant 32 : index
      %get3A_276 = tpu.vector_load %arg7[%get3A_274, %get3A_275] {strides = array<i32>} : memref<128x128xf32, #tpu.memory_space<vmem>>, vector<1x16xf32>,
      %get3A_277 = vector.shape_cast %get3A_276 : vector<1x16xf32> to vector<16xf32>
      %sub3A_278 = arith.subf %get3A_271, %get3A_277 : vector<16xf32>
      %mul3A_279 = arith.mulf %sub3A_278, %sub3A_278 : vector<16xf32>
      %add3A_280 = arith.addf %add3A_220, %mul3A_279 : vector<16xf32>
      %add3A_281 = arith.constant 1 : i32
      %add3A_282 = arith.addi %mul3A_117, %add3A_281 : i32
      %get3A_283 = arith.index_cast %add3A_282 : i32 to index
      %get3A_284 = arith.constant 48 : index
      %get3A_285 = tpu.vector_load %arg9[%get3A_283, %get3A_284] {strides = array<i32>} : memref<128x128xf32, #tpu.memory_space<vmem>>, vector<1x16xf32>,
      %get3A_286 = vector.shape_cast %get3A_285 : vector<1x16xf32> to vector<16xf32>
      %add3A_287 = arith.constant 1 : i32
      %add3A_288 = arith.addi %mul3A_117, %add3A_287 : i32
      %get3A_289 = arith.index_cast %add3A_288 : i32 to index
      %get3A_290 = arith.constant 48 : index
      %get3A_291 = tpu.vector_load %arg7[%get3A_289, %get3A_290] {strides = array<i32>} : memref<128x128xf32, #tpu.memory_space<vmem>>, vector<1x16xf32>,
      %get3A_292 = vector.shape_cast %get3A_291 : vector<1x16xf32> to vector<16xf32>
      %sub3A_293 = arith.subf %get3A_286, %get3A_292 : vector<16xf32>
      %mul3A_294 = arith.mulf %sub3A_293, %sub3A_293 : vector<16xf32>
      %add3A_295 = arith.addf %add3A_235, %mul3A_294 : vector<16xf32>
      %add3A_296 = arith.constant 1 : i32
      %add3A_297 = arith.addi %mul3A_117, %add3A_296 : i32
      %get3A_298 = arith.index_cast %add3A_297 : i32 to index
      %get3A_299 = arith.constant 64 : index
      %get3A_300 = tpu.vector_load %arg9[%get3A_298, %get3A_299] {strides = array<i32>} : memref<128x128xf32, #tpu.memory_space<vmem>>, vector<1x16xf32>,
      %get3A_301 = vector.shape_cast %get3A_300 : vector<1x16xf32> to vector<16xf32>
      %add3A_302 = arith.constant 1 : i32
      %add3A_303 = arith.addi %mul3A_117, %add3A_302 : i32
      %get3A_304 = arith.index_cast %add3A_303 : i32 to index
      %get3A_305 = arith.constant 64 : index
      %get3A_306 = tpu.vector_load %arg7[%get3A_304, %get3A_305] {strides = array<i32>} : memref<128x128xf32, #tpu.memory_space<vmem>>, vector<1x16xf32>,
      %get3A_307 = vector.shape_cast %get3A_306 : vector<1x16xf32> to vector<16xf32>
      %sub3A_308 = arith.subf %get3A_301, %get3A_307 : vector<16xf32>
      %mul3A_309 = arith.mulf %sub3A_308, %sub3A_308 : vector<16xf32>
      %add3A_310 = arith.addf %add3A_250, %mul3A_309 : vector<16xf32>
      %add3A_311 = arith.constant 1 : i32
      %add3A_312 = arith.addi %mul3A_117, %add3A_311 : i32
      %get3A_313 = arith.index_cast %add3A_312 : i32 to index
      %get3A_314 = arith.constant 80 : index
      %get3A_315 = tpu.vector_load %arg9[%get3A_313, %get3A_314] {strides = array<i32>} : memref<128x128xf32, #tpu.memory_space<vmem>>, vector<1x16xf32>,
      %get3A_316 = vector.shape_cast %get3A_315 : vector<1x16xf32> to vector<16xf32>
      %add3A_317 = arith.constant 1 : i32
      %add3A_318 = arith.addi %mul3A_117, %add3A_317 : i32
      %get3A_319 = arith.index_cast %add3A_318 : i32 to index
      %get3A_320 = arith.constant 80 : index
      %get3A_321 = tpu.vector_load %arg7[%get3A_319, %get3A_320] {strides = array<i32>} : memref<128x128xf32, #tpu.memory_space<vmem>>, vector<1x16xf32>,
      %get3A_322 = vector.shape_cast %get3A_321 : vector<1x16xf32> to vector<16xf32>
      %sub3A_323 = arith.subf %get3A_316, %get3A_322 : vector<16xf32>
      %mul3A_324 = arith.mulf %sub3A_323, %sub3A_323 : vector<16xf32>
      %add3A_325 = arith.addf %add3A_265, %mul3A_324 : vector<16xf32>
      %add3A_326 = arith.constant 1 : i32
      %add3A_327 = arith.addi %mul3A_117, %add3A_326 : i32
      %get3A_328 = arith.index_cast %add3A_327 : i32 to index
      %get3A_329 = arith.constant 96 : index
      %get3A_330 = tpu.vector_load %arg9[%get3A_328, %get3A_329] {strides = array<i32>} : memref<128x128xf32, #tpu.memory_space<vmem>>, vector<1x16xf32>,
      %get3A_331 = vector.shape_cast %get3A_330 : vector<1x16xf32> to vector<16xf32>
      %add3A_332 = arith.constant 1 : i32
      %add3A_333 = arith.addi %mul3A_117, %add3A_332 : i32
      %get3A_334 = arith.index_cast %add3A_333 : i32 to index
      %get3A_335 = arith.constant 96 : index
      %get3A_336 = tpu.vector_load %arg7[%get3A_334, %get3A_335] {strides = array<i32>} : memref<128x128xf32, #tpu.memory_space<vmem>>, vector<1x16xf32>,
      %get3A_337 = vector.shape_cast %get3A_336 : vector<1x16xf32> to vector<16xf32>
      %sub3A_338 = arith.subf %get3A_331, %get3A_337 : vector<16xf32>
      %mul3A_339 = arith.mulf %sub3A_338, %sub3A_338 : vector<16xf32>
      %add3A_340 = arith.addf %add3A_280, %mul3A_339 : vector<16xf32>
      %add3A_341 = arith.constant 1 : i32
      %add3A_342 = arith.addi %mul3A_117, %add3A_341 : i32
      %get3A_343 = arith.index_cast %add3A_342 : i32 to index
      %get3A_344 = arith.constant 112 : index
      %get3A_345 = tpu.vector_load %arg9[%get3A_343, %get3A_344] {strides = array<i32>} : memref<128x128xf32, #tpu.memory_space<vmem>>, vector<1x16xf32>,
      %get3A_346 = vector.shape_cast %get3A_345 : vector<1x16xf32> to vector<16xf32>
      %add3A_347 = arith.constant 1 : i32
      %add3A_348 = arith.addi %mul3A_117, %add3A_347 : i32
      %get3A_349 = arith.index_cast %add3A_348 : i32 to index
      %get3A_350 = arith.constant 112 : index
      %get3A_351 = tpu.vector_load %arg7[%get3A_349, %get3A_350] {strides = array<i32>} : memref<128x128xf32, #tpu.memory_space<vmem>>, vector<1x16xf32>,
      %get3A_352 = vector.shape_cast %get3A_351 : vector<1x16xf32> to vector<16xf32>
      %sub3A_353 = arith.subf %get3A_346, %get3A_352 : vector<16xf32>
      %mul3A_354 = arith.mulf %sub3A_353, %sub3A_353 : vector<16xf32>
      %add3A_355 = arith.addf %add3A_295, %mul3A_354 : vector<16xf32>
      scf.yield %add3A_310, %add3A_325, %add3A_340, %add3A_355 : vector<16xf32>, vector<16xf32>, vector<16xf32>, vector<16xf32>
    }
    %scan3A_89 = arith.constant 64 : i32
    %dma_wait3A_90 = arith.constant 384 : i32
    %dma_wait3A_91 = tpu.memref_slice %arg6[%dma_wait3A_90] : memref<512xi32, #tpu.memory_space<vmem>> -> memref<128xi32, #tpu.memory_space<vmem>>
    %dma_wait3A_92 = arith.constant 0 : i32
    %dma_wait3A_93 = arith.constant 0 : i32
    %dma_wait3A_94 = tpu.memref_slice %arg4[%dma_wait3A_92, %dma_wait3A_93] : memref<100000x128xf32, #tpu.memory_space<hbm>> -> memref<100000x128xf32, #tpu.memory_space<hbm>>
    tpu.wait_indirect_dma semaphore(%arg13 : memref<!tpu.dma_semaphore, #tpu.memory_space<semaphore_mem>>) src(%dma_wait3A_94 : memref<100000x128xf32, #tpu.memory_space<hbm>>) dst(%arg8 : memref<128x128xf32, #tpu.memory_space<vmem>>)
    %dma_wait3A_95 = arith.constant 0 : i32
    %dma_wait3A_96 = tpu.memref_slice %arg2[%add3A_70, %dma_wait3A_95] : memref<16384x128xf32, #tpu.memory_space<hbm>> -> memref<128x128xf32, #tpu.memory_space<hbm>>
    %dma_wait3A_97 = arith.constant 0 : i32
    %dma_wait3A_98 = tpu.memref_slice %arg2[%add3A_70, %dma_wait3A_97] : memref<16384x128xf32, #tpu.memory_space<hbm>> -> memref<128x128xf32, #tpu.memory_space<hbm>>
    tpu.wait_dma2 semaphore(%arg15 : memref<!tpu.dma_semaphore, #tpu.memory_space<semaphore_mem>>) src(%dma_wait3A_98 : memref<128x128xf32, #tpu.memory_space<hbm>>) dst(%arg10 : memref<128x128xf32, #tpu.memory_space<vmem>>)
    %scan3A_99 = arith.constant 0 : i32
    %scan3A_100 = arith.constant 64 : i32
    %scan3A_101 = arith.addi %scan3A_99, %scan3A_100 : i32
    %scan3A_102 = arith.constant 1 : i32
    %scan3A_103:4 = scf.for %scan3A_111 = %scan3A_99 to %scan3A_101 step %scan3A_102 iter_args(%scan3A_112 = %scan3A_88#0, %scan3A_113 = %scan3A_88#1, %scan3A_114 = %scan3A_88#2, %scan3A_115 = %scan3A_88#3) -> (vector<16xf32>, vector<16xf32>, vector<16xf32>, vector<16xf32>)  : i32 {
      %mul3A_116 = arith.constant 2 : i32
      %mul3A_117 = arith.muli %scan3A_111, %mul3A_116 : i32
      %add3A_118 = arith.constant 0 : i32
      %add3A_119 = arith.addi %mul3A_117, %add3A_118 : i32
      %get3A = arith.index_cast %add3A_119 : i32 to index
      %get3A_120 = arith.constant 0 : index
      %get3A_121 = tpu.vector_load %arg10[%get3A, %get3A_120] {strides = array<i32>} : memref<128x128xf32, #tpu.memory_space<vmem>>, vector<1x16xf32>,
      %get3A_122 = vector.shape_cast %get3A_121 : vector<1x16xf32> to vector<16xf32>
      %add3A_123 = arith.constant 0 : i32
      %add3A_124 = arith.addi %mul3A_117, %add3A_123 : i32
      %get3A_125 = arith.index_cast %add3A_124 : i32 to index
      %get3A_126 = arith.constant 0 : index
      %get3A_127 = tpu.vector_load %arg8[%get3A_125, %get3A_126] {strides = array<i32>} : memref<128x128xf32, #tpu.memory_space<vmem>>, vector<1x16xf32>,
      %get3A_128 = vector.shape_cast %get3A_127 : vector<1x16xf32> to vector<16xf32>
      %sub3A = arith.subf %get3A_122, %get3A_128 : vector<16xf32>
      %mul3A_129 = arith.mulf %sub3A, %sub3A : vector<16xf32>
      %add3A_130 = arith.addf %scan3A_112, %mul3A_129 : vector<16xf32>
      %add3A_131 = arith.constant 0 : i32
      %add3A_132 = arith.addi %mul3A_117, %add3A_131 : i32
      %get3A_133 = arith.index_cast %add3A_132 : i32 to index
      %get3A_134 = arith.constant 16 : index
      %get3A_135 = tpu.vector_load %arg10[%get3A_133, %get3A_134] {strides = array<i32>} : memref<128x128xf32, #tpu.memory_space<vmem>>, vector<1x16xf32>,
      %get3A_136 = vector.shape_cast %get3A_135 : vector<1x16xf32> to vector<16xf32>
      %add3A_137 = arith.constant 0 : i32
      %add3A_138 = arith.addi %mul3A_117, %add3A_137 : i32
      %get3A_139 = arith.index_cast %add3A_138 : i32 to index
      %get3A_140 = arith.constant 16 : index
      %get3A_141 = tpu.vector_load %arg8[%get3A_139, %get3A_140] {strides = array<i32>} : memref<128x128xf32, #tpu.memory_space<vmem>>, vector<1x16xf32>,
      %get3A_142 = vector.shape_cast %get3A_141 : vector<1x16xf32> to vector<16xf32>
      %sub3A_143 = arith.subf %get3A_136, %get3A_142 : vector<16xf32>
      %mul3A_144 = arith.mulf %sub3A_143, %sub3A_143 : vector<16xf32>
      %add3A_145 = arith.addf %scan3A_113, %mul3A_144 : vector<16xf32>
      %add3A_146 = arith.constant 0 : i32
      %add3A_147 = arith.addi %mul3A_117, %add3A_146 : i32
      %get3A_148 = arith.index_cast %add3A_147 : i32 to index
      %get3A_149 = arith.constant 32 : index
      %get3A_150 = tpu.vector_load %arg10[%get3A_148, %get3A_149] {strides = array<i32>} : memref<128x128xf32, #tpu.memory_space<vmem>>, vector<1x16xf32>,
      %get3A_151 = vector.shape_cast %get3A_150 : vector<1x16xf32> to vector<16xf32>
      %add3A_152 = arith.constant 0 : i32
      %add3A_153 = arith.addi %mul3A_117, %add3A_152 : i32
      %get3A_154 = arith.index_cast %add3A_153 : i32 to index
      %get3A_155 = arith.constant 32 : index
      %get3A_156 = tpu.vector_load %arg8[%get3A_154, %get3A_155] {strides = array<i32>} : memref<128x128xf32, #tpu.memory_space<vmem>>, vector<1x16xf32>,
      %get3A_157 = vector.shape_cast %get3A_156 : vector<1x16xf32> to vector<16xf32>
      %sub3A_158 = arith.subf %get3A_151, %get3A_157 : vector<16xf32>
      %mul3A_159 = arith.mulf %sub3A_158, %sub3A_158 : vector<16xf32>
      %add3A_160 = arith.addf %scan3A_114, %mul3A_159 : vector<16xf32>
      %add3A_161 = arith.constant 0 : i32
      %add3A_162 = arith.addi %mul3A_117, %add3A_161 : i32
      %get3A_163 = arith.index_cast %add3A_162 : i32 to index
      %get3A_164 = arith.constant 48 : index
      %get3A_165 = tpu.vector_load %arg10[%get3A_163, %get3A_164] {strides = array<i32>} : memref<128x128xf32, #tpu.memory_space<vmem>>, vector<1x16xf32>,
      %get3A_166 = vector.shape_cast %get3A_165 : vector<1x16xf32> to vector<16xf32>
      %add3A_167 = arith.constant 0 : i32
      %add3A_168 = arith.addi %mul3A_117, %add3A_167 : i32
      %get3A_169 = arith.index_cast %add3A_168 : i32 to index
      %get3A_170 = arith.constant 48 : index
      %get3A_171 = tpu.vector_load %arg8[%get3A_169, %get3A_170] {strides = array<i32>} : memref<128x128xf32, #tpu.memory_space<vmem>>, vector<1x16xf32>,
      %get3A_172 = vector.shape_cast %get3A_171 : vector<1x16xf32> to vector<16xf32>
      %sub3A_173 = arith.subf %get3A_166, %get3A_172 : vector<16xf32>
      %mul3A_174 = arith.mulf %sub3A_173, %sub3A_173 : vector<16xf32>
      %add3A_175 = arith.addf %scan3A_115, %mul3A_174 : vector<16xf32>
      %add3A_176 = arith.constant 0 : i32
      %add3A_177 = arith.addi %mul3A_117, %add3A_176 : i32
      %get3A_178 = arith.index_cast %add3A_177 : i32 to index
      %get3A_179 = arith.constant 64 : index
      %get3A_180 = tpu.vector_load %arg10[%get3A_178, %get3A_179] {strides = array<i32>} : memref<128x128xf32, #tpu.memory_space<vmem>>, vector<1x16xf32>,
      %get3A_181 = vector.shape_cast %get3A_180 : vector<1x16xf32> to vector<16xf32>
      %add3A_182 = arith.constant 0 : i32
      %add3A_183 = arith.addi %mul3A_117, %add3A_182 : i32
      %get3A_184 = arith.index_cast %add3A_183 : i32 to index
      %get3A_185 = arith.constant 64 : index
      %get3A_186 = tpu.vector_load %arg8[%get3A_184, %get3A_185] {strides = array<i32>} : memref<128x128xf32, #tpu.memory_space<vmem>>, vector<1x16xf32>,
      %get3A_187 = vector.shape_cast %get3A_186 : vector<1x16xf32> to vector<16xf32>
      %sub3A_188 = arith.subf %get3A_181, %get3A_187 : vector<16xf32>
      %mul3A_189 = arith.mulf %sub3A_188, %sub3A_188 : vector<16xf32>
      %add3A_190 = arith.addf %add3A_130, %mul3A_189 : vector<16xf32>
      %add3A_191 = arith.constant 0 : i32
      %add3A_192 = arith.addi %mul3A_117, %add3A_191 : i32
      %get3A_193 = arith.index_cast %add3A_192 : i32 to index
      %get3A_194 = arith.constant 80 : index
      %get3A_195 = tpu.vector_load %arg10[%get3A_193, %get3A_194] {strides = array<i32>} : memref<128x128xf32, #tpu.memory_space<vmem>>, vector<1x16xf32>,
      %get3A_196 = vector.shape_cast %get3A_195 : vector<1x16xf32> to vector<16xf32>
      %add3A_197 = arith.constant 0 : i32
      %add3A_198 = arith.addi %mul3A_117, %add3A_197 : i32
      %get3A_199 = arith.index_cast %add3A_198 : i32 to index
      %get3A_200 = arith.constant 80 : index
      %get3A_201 = tpu.vector_load %arg8[%get3A_199, %get3A_200] {strides = array<i32>} : memref<128x128xf32, #tpu.memory_space<vmem>>, vector<1x16xf32>,
      %get3A_202 = vector.shape_cast %get3A_201 : vector<1x16xf32> to vector<16xf32>
      %sub3A_203 = arith.subf %get3A_196, %get3A_202 : vector<16xf32>
      %mul3A_204 = arith.mulf %sub3A_203, %sub3A_203 : vector<16xf32>
      %add3A_205 = arith.addf %add3A_145, %mul3A_204 : vector<16xf32>
      %add3A_206 = arith.constant 0 : i32
      %add3A_207 = arith.addi %mul3A_117, %add3A_206 : i32
      %get3A_208 = arith.index_cast %add3A_207 : i32 to index
      %get3A_209 = arith.constant 96 : index
      %get3A_210 = tpu.vector_load %arg10[%get3A_208, %get3A_209] {strides = array<i32>} : memref<128x128xf32, #tpu.memory_space<vmem>>, vector<1x16xf32>,
      %get3A_211 = vector.shape_cast %get3A_210 : vector<1x16xf32> to vector<16xf32>
      %add3A_212 = arith.constant 0 : i32
      %add3A_213 = arith.addi %mul3A_117, %add3A_212 : i32
      %get3A_214 = arith.index_cast %add3A_213 : i32 to index
      %get3A_215 = arith.constant 96 : index
      %get3A_216 = tpu.vector_load %arg8[%get3A_214, %get3A_215] {strides = array<i32>} : memref<128x128xf32, #tpu.memory_space<vmem>>, vector<1x16xf32>,
      %get3A_217 = vector.shape_cast %get3A_216 : vector<1x16xf32> to vector<16xf32>
      %sub3A_218 = arith.subf %get3A_211, %get3A_217 : vector<16xf32>
      %mul3A_219 = arith.mulf %sub3A_218, %sub3A_218 : vector<16xf32>
      %add3A_220 = arith.addf %add3A_160, %mul3A_219 : vector<16xf32>
      %add3A_221 = arith.constant 0 : i32
      %add3A_222 = arith.addi %mul3A_117, %add3A_221 : i32
      %get3A_223 = arith.index_cast %add3A_222 : i32 to index
      %get3A_224 = arith.constant 112 : index
      %get3A_225 = tpu.vector_load %arg10[%get3A_223, %get3A_224] {strides = array<i32>} : memref<128x128xf32, #tpu.memory_space<vmem>>, vector<1x16xf32>,
      %get3A_226 = vector.shape_cast %get3A_225 : vector<1x16xf32> to vector<16xf32>
      %add3A_227 = arith.constant 0 : i32
      %add3A_228 = arith.addi %mul3A_117, %add3A_227 : i32
      %get3A_229 = arith.index_cast %add3A_228 : i32 to index
      %get3A_230 = arith.constant 112 : index
      %get3A_231 = tpu.vector_load %arg8[%get3A_229, %get3A_230] {strides = array<i32>} : memref<128x128xf32, #tpu.memory_space<vmem>>, vector<1x16xf32>,
      %get3A_232 = vector.shape_cast %get3A_231 : vector<1x16xf32> to vector<16xf32>
      %sub3A_233 = arith.subf %get3A_226, %get3A_232 : vector<16xf32>
      %mul3A_234 = arith.mulf %sub3A_233, %sub3A_233 : vector<16xf32>
      %add3A_235 = arith.addf %add3A_175, %mul3A_234 : vector<16xf32>
      %add3A_236 = arith.constant 1 : i32
      %add3A_237 = arith.addi %mul3A_117, %add3A_236 : i32
      %get3A_238 = arith.index_cast %add3A_237 : i32 to index
      %get3A_239 = arith.constant 0 : index
      %get3A_240 = tpu.vector_load %arg10[%get3A_238, %get3A_239] {strides = array<i32>} : memref<128x128xf32, #tpu.memory_space<vmem>>, vector<1x16xf32>,
      %get3A_241 = vector.shape_cast %get3A_240 : vector<1x16xf32> to vector<16xf32>
      %add3A_242 = arith.constant 1 : i32
      %add3A_243 = arith.addi %mul3A_117, %add3A_242 : i32
      %get3A_244 = arith.index_cast %add3A_243 : i32 to index
      %get3A_245 = arith.constant 0 : index
      %get3A_246 = tpu.vector_load %arg8[%get3A_244, %get3A_245] {strides = array<i32>} : memref<128x128xf32, #tpu.memory_space<vmem>>, vector<1x16xf32>,
      %get3A_247 = vector.shape_cast %get3A_246 : vector<1x16xf32> to vector<16xf32>
      %sub3A_248 = arith.subf %get3A_241, %get3A_247 : vector<16xf32>
      %mul3A_249 = arith.mulf %sub3A_248, %sub3A_248 : vector<16xf32>
      %add3A_250 = arith.addf %add3A_190, %mul3A_249 : vector<16xf32>
      %add3A_251 = arith.constant 1 : i32
      %add3A_252 = arith.addi %mul3A_117, %add3A_251 : i32
      %get3A_253 = arith.index_cast %add3A_252 : i32 to index
      %get3A_254 = arith.constant 16 : index
      %get3A_255 = tpu.vector_load %arg10[%get3A_253, %get3A_254] {strides = array<i32>} : memref<128x128xf32, #tpu.memory_space<vmem>>, vector<1x16xf32>,
      %get3A_256 = vector.shape_cast %get3A_255 : vector<1x16xf32> to vector<16xf32>
      %add3A_257 = arith.constant 1 : i32
      %add3A_258 = arith.addi %mul3A_117, %add3A_257 : i32
      %get3A_259 = arith.index_cast %add3A_258 : i32 to index
      %get3A_260 = arith.constant 16 : index
      %get3A_261 = tpu.vector_load %arg8[%get3A_259, %get3A_260] {strides = array<i32>} : memref<128x128xf32, #tpu.memory_space<vmem>>, vector<1x16xf32>,
      %get3A_262 = vector.shape_cast %get3A_261 : vector<1x16xf32> to vector<16xf32>
      %sub3A_263 = arith.subf %get3A_256, %get3A_262 : vector<16xf32>
      %mul3A_264 = arith.mulf %sub3A_263, %sub3A_263 : vector<16xf32>
      %add3A_265 = arith.addf %add3A_205, %mul3A_264 : vector<16xf32>
      %add3A_266 = arith.constant 1 : i32
      %add3A_267 = arith.addi %mul3A_117, %add3A_266 : i32
      %get3A_268 = arith.index_cast %add3A_267 : i32 to index
      %get3A_269 = arith.constant 32 : index
      %get3A_270 = tpu.vector_load %arg10[%get3A_268, %get3A_269] {strides = array<i32>} : memref<128x128xf32, #tpu.memory_space<vmem>>, vector<1x16xf32>,
      %get3A_271 = vector.shape_cast %get3A_270 : vector<1x16xf32> to vector<16xf32>
      %add3A_272 = arith.constant 1 : i32
      %add3A_273 = arith.addi %mul3A_117, %add3A_272 : i32
      %get3A_274 = arith.index_cast %add3A_273 : i32 to index
      %get3A_275 = arith.constant 32 : index
      %get3A_276 = tpu.vector_load %arg8[%get3A_274, %get3A_275] {strides = array<i32>} : memref<128x128xf32, #tpu.memory_space<vmem>>, vector<1x16xf32>,
      %get3A_277 = vector.shape_cast %get3A_276 : vector<1x16xf32> to vector<16xf32>
      %sub3A_278 = arith.subf %get3A_271, %get3A_277 : vector<16xf32>
      %mul3A_279 = arith.mulf %sub3A_278, %sub3A_278 : vector<16xf32>
      %add3A_280 = arith.addf %add3A_220, %mul3A_279 : vector<16xf32>
      %add3A_281 = arith.constant 1 : i32
      %add3A_282 = arith.addi %mul3A_117, %add3A_281 : i32
      %get3A_283 = arith.index_cast %add3A_282 : i32 to index
      %get3A_284 = arith.constant 48 : index
      %get3A_285 = tpu.vector_load %arg10[%get3A_283, %get3A_284] {strides = array<i32>} : memref<128x128xf32, #tpu.memory_space<vmem>>, vector<1x16xf32>,
      %get3A_286 = vector.shape_cast %get3A_285 : vector<1x16xf32> to vector<16xf32>
      %add3A_287 = arith.constant 1 : i32
      %add3A_288 = arith.addi %mul3A_117, %add3A_287 : i32
      %get3A_289 = arith.index_cast %add3A_288 : i32 to index
      %get3A_290 = arith.constant 48 : index
      %get3A_291 = tpu.vector_load %arg8[%get3A_289, %get3A_290] {strides = array<i32>} : memref<128x128xf32, #tpu.memory_space<vmem>>, vector<1x16xf32>,
      %get3A_292 = vector.shape_cast %get3A_291 : vector<1x16xf32> to vector<16xf32>
      %sub3A_293 = arith.subf %get3A_286, %get3A_292 : vector<16xf32>
      %mul3A_294 = arith.mulf %sub3A_293, %sub3A_293 : vector<16xf32>
      %add3A_295 = arith.addf %add3A_235, %mul3A_294 : vector<16xf32>
      %add3A_296 = arith.constant 1 : i32
      %add3A_297 = arith.addi %mul3A_117, %add3A_296 : i32
      %get3A_298 = arith.index_cast %add3A_297 : i32 to index
      %get3A_299 = arith.constant 64 : index
      %get3A_300 = tpu.vector_load %arg10[%get3A_298, %get3A_299] {strides = array<i32>} : memref<128x128xf32, #tpu.memory_space<vmem>>, vector<1x16xf32>,
      %get3A_301 = vector.shape_cast %get3A_300 : vector<1x16xf32> to vector<16xf32>
      %add3A_302 = arith.constant 1 : i32
      %add3A_303 = arith.addi %mul3A_117, %add3A_302 : i32
      %get3A_304 = arith.index_cast %add3A_303 : i32 to index
      %get3A_305 = arith.constant 64 : index
      %get3A_306 = tpu.vector_load %arg8[%get3A_304, %get3A_305] {strides = array<i32>} : memref<128x128xf32, #tpu.memory_space<vmem>>, vector<1x16xf32>,
      %get3A_307 = vector.shape_cast %get3A_306 : vector<1x16xf32> to vector<16xf32>
      %sub3A_308 = arith.subf %get3A_301, %get3A_307 : vector<16xf32>
      %mul3A_309 = arith.mulf %sub3A_308, %sub3A_308 : vector<16xf32>
      %add3A_310 = arith.addf %add3A_250, %mul3A_309 : vector<16xf32>
      %add3A_311 = arith.constant 1 : i32
      %add3A_312 = arith.addi %mul3A_117, %add3A_311 : i32
      %get3A_313 = arith.index_cast %add3A_312 : i32 to index
      %get3A_314 = arith.constant 80 : index
      %get3A_315 = tpu.vector_load %arg10[%get3A_313, %get3A_314] {strides = array<i32>} : memref<128x128xf32, #tpu.memory_space<vmem>>, vector<1x16xf32>,
      %get3A_316 = vector.shape_cast %get3A_315 : vector<1x16xf32> to vector<16xf32>
      %add3A_317 = arith.constant 1 : i32
      %add3A_318 = arith.addi %mul3A_117, %add3A_317 : i32
      %get3A_319 = arith.index_cast %add3A_318 : i32 to index
      %get3A_320 = arith.constant 80 : index
      %get3A_321 = tpu.vector_load %arg8[%get3A_319, %get3A_320] {strides = array<i32>} : memref<128x128xf32, #tpu.memory_space<vmem>>, vector<1x16xf32>,
      %get3A_322 = vector.shape_cast %get3A_321 : vector<1x16xf32> to vector<16xf32>
      %sub3A_323 = arith.subf %get3A_316, %get3A_322 : vector<16xf32>
      %mul3A_324 = arith.mulf %sub3A_323, %sub3A_323 : vector<16xf32>
      %add3A_325 = arith.addf %add3A_265, %mul3A_324 : vector<16xf32>
      %add3A_326 = arith.constant 1 : i32
      %add3A_327 = arith.addi %mul3A_117, %add3A_326 : i32
      %get3A_328 = arith.index_cast %add3A_327 : i32 to index
      %get3A_329 = arith.constant 96 : index
      %get3A_330 = tpu.vector_load %arg10[%get3A_328, %get3A_329] {strides = array<i32>} : memref<128x128xf32, #tpu.memory_space<vmem>>, vector<1x16xf32>,
      %get3A_331 = vector.shape_cast %get3A_330 : vector<1x16xf32> to vector<16xf32>
      %add3A_332 = arith.constant 1 : i32
      %add3A_333 = arith.addi %mul3A_117, %add3A_332 : i32
      %get3A_334 = arith.index_cast %add3A_333 : i32 to index
      %get3A_335 = arith.constant 96 : index
      %get3A_336 = tpu.vector_load %arg8[%get3A_334, %get3A_335] {strides = array<i32>} : memref<128x128xf32, #tpu.memory_space<vmem>>, vector<1x16xf32>,
      %get3A_337 = vector.shape_cast %get3A_336 : vector<1x16xf32> to vector<16xf32>
      %sub3A_338 = arith.subf %get3A_331, %get3A_337 : vector<16xf32>
      %mul3A_339 = arith.mulf %sub3A_338, %sub3A_338 : vector<16xf32>
      %add3A_340 = arith.addf %add3A_280, %mul3A_339 : vector<16xf32>
      %add3A_341 = arith.constant 1 : i32
      %add3A_342 = arith.addi %mul3A_117, %add3A_341 : i32
      %get3A_343 = arith.index_cast %add3A_342 : i32 to index
      %get3A_344 = arith.constant 112 : index
      %get3A_345 = tpu.vector_load %arg10[%get3A_343, %get3A_344] {strides = array<i32>} : memref<128x128xf32, #tpu.memory_space<vmem>>, vector<1x16xf32>,
      %get3A_346 = vector.shape_cast %get3A_345 : vector<1x16xf32> to vector<16xf32>
      %add3A_347 = arith.constant 1 : i32
      %add3A_348 = arith.addi %mul3A_117, %add3A_347 : i32
      %get3A_349 = arith.index_cast %add3A_348 : i32 to index
      %get3A_350 = arith.constant 112 : index
      %get3A_351 = tpu.vector_load %arg8[%get3A_349, %get3A_350] {strides = array<i32>} : memref<128x128xf32, #tpu.memory_space<vmem>>, vector<1x16xf32>,
      %get3A_352 = vector.shape_cast %get3A_351 : vector<1x16xf32> to vector<16xf32>
      %sub3A_353 = arith.subf %get3A_346, %get3A_352 : vector<16xf32>
      %mul3A_354 = arith.mulf %sub3A_353, %sub3A_353 : vector<16xf32>
      %add3A_355 = arith.addf %add3A_295, %mul3A_354 : vector<16xf32>
      scf.yield %add3A_310, %add3A_325, %add3A_340, %add3A_355 : vector<16xf32>, vector<16xf32>, vector<16xf32>, vector<16xf32>
    }
    %scan3A_104 = arith.constant 64 : i32
    %add3A_105 = arith.addf %scan3A_103#0, %scan3A_103#1 : vector<16xf32>
    %add3A_106 = arith.addf %scan3A_103#2, %scan3A_103#3 : vector<16xf32>
    %add3A_107 = arith.addf %add3A_105, %add3A_106 : vector<16xf32>
    %swap3A = arith.constant 0 : index
    %swap3A_108 = tpu.vector_load %arg11[%swap3A] {strides = array<i32>} : memref<16xf32, #tpu.memory_space<vmem>>, vector<16xf32>,
    %swap3A_109 = vector.shape_cast %swap3A_108 : vector<16xf32> to vector<16xf32>
    %swap3A_110 = vector.shape_cast %add3A_107 : vector<16xf32> to vector<16xf32>
    tpu.vector_store %arg11[%swap3A], %swap3A_110 {strides = array<i32>} : memref<16xf32, #tpu.memory_space<vmem>>, vector<16xf32>,
    "tpu.region"() ({
      %run_scoped3A = tpu.sem_alloc : memref<!tpu.dma_semaphore, #tpu.memory_space<semaphore_mem>>
      %dma_start3A_111 = arith.constant 0 : i32
      %dma_start3A_112 = tpu.memref_slice %arg5[%add3A, %dma_start3A_111] : memref<32x16xf32, #tpu.memory_space<hbm>> -> memref<1x16xf32, #tpu.memory_space<hbm>>
      %dma_start3A_113 = tpu.memref_squeeze %dma_start3A_112 : memref<1x16xf32, #tpu.memory_space<hbm>> -> memref<16xf32, #tpu.memory_space<hbm>>
      %dma_start3A_114 = arith.constant 0 : i32
      %dma_start3A_115 = tpu.memref_slice %arg5[%add3A, %dma_start3A_114] : memref<32x16xf32, #tpu.memory_space<hbm>> -> memref<1x16xf32, #tpu.memory_space<hbm>>
      %dma_start3A_116 = tpu.memref_squeeze %dma_start3A_115 : memref<1x16xf32, #tpu.memory_space<hbm>> -> memref<16xf32, #tpu.memory_space<hbm>>
      tpu.enqueue_dma source(%arg11 : memref<16xf32, #tpu.memory_space<vmem>>) target(%dma_start3A_116 : memref<16xf32, #tpu.memory_space<hbm>>) target_semaphore(%run_scoped3A : memref<!tpu.dma_semaphore, #tpu.memory_space<semaphore_mem>>)
      %dma_wait3A_117 = arith.constant 0 : i32
      %dma_wait3A_118 = tpu.memref_slice %arg5[%add3A, %dma_wait3A_117] : memref<32x16xf32, #tpu.memory_space<hbm>> -> memref<1x16xf32, #tpu.memory_space<hbm>>
      %dma_wait3A_119 = tpu.memref_squeeze %dma_wait3A_118 : memref<1x16xf32, #tpu.memory_space<hbm>> -> memref<16xf32, #tpu.memory_space<hbm>>
      %dma_wait3A_120 = arith.constant 0 : i32
      %dma_wait3A_121 = tpu.memref_slice %arg5[%add3A, %dma_wait3A_120] : memref<32x16xf32, #tpu.memory_space<hbm>> -> memref<1x16xf32, #tpu.memory_space<hbm>>
      %dma_wait3A_122 = tpu.memref_squeeze %dma_wait3A_121 : memref<1x16xf32, #tpu.memory_space<hbm>> -> memref<16xf32, #tpu.memory_space<hbm>>
      tpu.wait_dma2 semaphore(%run_scoped3A : memref<!tpu.dma_semaphore, #tpu.memory_space<semaphore_mem>>) src(%arg11 : memref<16xf32, #tpu.memory_space<vmem>>) dst(%dma_wait3A_122 : memref<16xf32, #tpu.memory_space<hbm>>)
      tpu.yield
    }) : () -> ()
    return
  }
}

module attributes {stable_mosaic.version = 14 : i64} {
  func.func @_tc_var_body(%arg0: i32, %arg1: memref<20000x128xf32, #tpu.memory_space<vmem>>, %arg2: memref<1x1xf32, #tpu.memory_space<smem>>, %arg3: memref<1x1xf32, #tpu.memory_space<smem>>, %arg4: memref<2x128xf32, #tpu.memory_space<vmem>>) attributes {dimension_semantics = [#tpu.dimension_semantics<arbitrary>], iteration_bounds = array<i64: 5>, scalar_prefetch = 0 : i64, scratch_operands = 1 : i64, tpu.core_type = #tpu.core_type<tc>, window_params = [{transform_indices = @transform_0, window_bounds = array<i64: 20000, 128>}, {transform_indices = @transform_1, window_bounds = array<i64: 1, 1>}, {transform_indices = @transform_2, window_bounds = array<i64: 1, 1>}]} {
    %eq3A = arith.constant 0 : i32
    %eq3A_0 = arith.cmpi eq, %arg0, %eq3A : i32
    %convert_element_type3A = arith.extui %eq3A_0 : i1 to i32
    %cond3A = arith.constant 0 : i32
    %cond3A_1 = arith.cmpi ne, %convert_element_type3A, %cond3A : i32
    scf.if %cond3A_1 {
      %broadcast_in_dim3A_25 = arith.constant 0.000000e+00 : f32
      %broadcast_in_dim3A_26 = vector.broadcast %broadcast_in_dim3A_25 : f32 to vector<2x128xf32>
      %swap3A_27 = arith.constant 0 : index
      %swap3A_28 = arith.constant 0 : index
      %swap3A_29 = vector.load %arg4[%swap3A_27, %swap3A_28] : memref<2x128xf32, #tpu.memory_space<vmem>>, vector<2x128xf32>
      tpu.vector_store %arg4[%swap3A_27, %swap3A_28], %broadcast_in_dim3A_26 {strides = array<i32>} : memref<2x128xf32, #tpu.memory_space<vmem>>, vector<2x128xf32>,
    } else {
    }
    %get3A = arith.constant 0 : index
    %get3A_2 = arith.constant 0 : index
    %get3A_3 = vector.load %arg1[%get3A, %get3A_2] : memref<20000x128xf32, #tpu.memory_space<vmem>>, vector<20000x128xf32>
    %get3A_4 = arith.constant 0 : index
    %get3A_5 = arith.constant 0 : index
    %get3A_6 = vector.load %arg4[%get3A_4, %get3A_5] : memref<2x128xf32, #tpu.memory_space<vmem>>, vector<1x128xf32>
    %reduce_sum3A = arith.constant dense<0.000000e+00> : vector<128xf32>
    %reduce_sum3A_7 = vector.multi_reduction <add>, %get3A_3, %reduce_sum3A [0] : vector<20000x128xf32> to vector<128xf32>
    %broadcast_in_dim3A = vector.shape_cast %reduce_sum3A_7 : vector<128xf32> to vector<1x128xf32>
    %add3A = arith.addf %get3A_6, %broadcast_in_dim3A : vector<1x128xf32>
    %swap3A = arith.constant 0 : index
    %swap3A_8 = arith.constant 0 : index
    %swap3A_9 = vector.load %arg4[%swap3A, %swap3A_8] : memref<2x128xf32, #tpu.memory_space<vmem>>, vector<1x128xf32>
    tpu.vector_store %arg4[%swap3A, %swap3A_8], %add3A {strides = array<i32>} : memref<2x128xf32, #tpu.memory_space<vmem>>, vector<1x128xf32>,
    %get3A_10 = arith.constant 1 : index
    %get3A_11 = arith.constant 0 : index
    %get3A_12 = vector.load %arg4[%get3A_10, %get3A_11] : memref<2x128xf32, #tpu.memory_space<vmem>>, vector<1x128xf32>
    %mul3A = arith.mulf %get3A_3, %get3A_3 : vector<20000x128xf32>
    %reduce_sum3A_13 = arith.constant dense<0.000000e+00> : vector<128xf32>
    %reduce_sum3A_14 = vector.multi_reduction <add>, %mul3A, %reduce_sum3A_13 [0] : vector<20000x128xf32> to vector<128xf32>
    %broadcast_in_dim3A_15 = vector.shape_cast %reduce_sum3A_14 : vector<128xf32> to vector<1x128xf32>
    %add3A_16 = arith.addf %get3A_12, %broadcast_in_dim3A_15 : vector<1x128xf32>
    %swap3A_17 = arith.constant 1 : index
    %swap3A_18 = arith.constant 0 : index
    %swap3A_19 = vector.load %arg4[%swap3A_17, %swap3A_18] : memref<2x128xf32, #tpu.memory_space<vmem>>, vector<1x128xf32>
    tpu.vector_store %arg4[%swap3A_17, %swap3A_18], %add3A_16 {strides = array<i32>} : memref<2x128xf32, #tpu.memory_space<vmem>>, vector<1x128xf32>,
    %eq3A_20 = arith.constant 4 : i32
    %eq3A_21 = arith.cmpi eq, %arg0, %eq3A_20 : i32
    %convert_element_type3A_22 = arith.extui %eq3A_21 : i1 to i32
    %cond3A_23 = arith.constant 0 : i32
    %cond3A_24 = arith.cmpi ne, %convert_element_type3A_22, %cond3A_23 : i32
    scf.if %cond3A_24 {
      %get3A_25 = arith.constant 0 : index
      %get3A_26 = arith.constant 0 : index
      %get3A_27 = vector.load %arg4[%get3A_25, %get3A_26] : memref<2x128xf32, #tpu.memory_space<vmem>>, vector<1x128xf32>
      %reduce_sum3A_28 = vector.shape_cast %get3A_27 : vector<1x128xf32> to vector<1x1x128xf32>
      %reduce_sum3A_29 = arith.constant dense<0.000000e+00> : vector<1xf32>
      %reduce_sum3A_30 = vector.multi_reduction <add>, %reduce_sum3A_28, %reduce_sum3A_29 [1, 2] : vector<1x1x128xf32> to vector<1xf32>
      %reduce_sum3A_31 = vector.shape_cast %reduce_sum3A_30 : vector<1xf32> to vector<1x1x1xf32>
      %reduce_sum3A_32 = vector.extract %reduce_sum3A_31[0, 0, 0] : f32 from vector<1x1x1xf32>
      %swap3A_33 = arith.constant 0 : index
      %swap3A_34 = arith.constant 0 : index
      %swap3A_35 = memref.load %arg2[%swap3A_33, %swap3A_34] : memref<1x1xf32, #tpu.memory_space<smem>>
      memref.store %reduce_sum3A_32, %arg2[%swap3A_33, %swap3A_34] : memref<1x1xf32, #tpu.memory_space<smem>>
      %get3A_36 = arith.constant 1 : index
      %get3A_37 = arith.constant 0 : index
      %get3A_38 = vector.load %arg4[%get3A_36, %get3A_37] : memref<2x128xf32, #tpu.memory_space<vmem>>, vector<1x128xf32>
      %reduce_sum3A_39 = vector.shape_cast %get3A_38 : vector<1x128xf32> to vector<1x1x128xf32>
      %reduce_sum3A_40 = arith.constant dense<0.000000e+00> : vector<1xf32>
      %reduce_sum3A_41 = vector.multi_reduction <add>, %reduce_sum3A_39, %reduce_sum3A_40 [1, 2] : vector<1x1x128xf32> to vector<1xf32>
      %reduce_sum3A_42 = vector.shape_cast %reduce_sum3A_41 : vector<1xf32> to vector<1x1x1xf32>
      %reduce_sum3A_43 = vector.extract %reduce_sum3A_42[0, 0, 0] : f32 from vector<1x1x1xf32>
      %swap3A_44 = arith.constant 0 : index
      %swap3A_45 = arith.constant 0 : index
      %swap3A_46 = memref.load %arg3[%swap3A_44, %swap3A_45] : memref<1x1xf32, #tpu.memory_space<smem>>
      memref.store %reduce_sum3A_43, %arg3[%swap3A_44, %swap3A_45] : memref<1x1xf32, #tpu.memory_space<smem>>
    } else {
    }
    return
  }
  func.func @transform_0(%arg0: i32) -> (i32, i32) {
    %c0_i32 = arith.constant 0 : i32
    %c0_i32_0 = arith.constant 0 : i32
    return %arg0, %c0_i32 : i32, i32
  }
  func.func @transform_1(%arg0: i32) -> (i32, i32) {
    %c0_i32 = arith.constant 0 : i32
    %c0_i32_0 = arith.constant 0 : i32
    %c0_i32_1 = arith.constant 0 : i32
    return %c0_i32, %c0_i32_0 : i32, i32
  }
  func.func @transform_2(%arg0: i32) -> (i32, i32) {
    %c0_i32 = arith.constant 0 : i32
    %c0_i32_0 = arith.constant 0 : i32
    %c0_i32_1 = arith.constant 0 : i32
    return %c0_i32, %c0_i32_0 : i32, i32
  }
}

</mosaic_0001>

<sc_bundles>
// kernel: kernel.4.cloned.1.call-start
scs
__scs_entry_jumppad:
0x0: {  	(pc) =	sbr.rel $0x88, $3  }
0x1: {  	(tag) =	ssettag $0x0;
	lr =	simm.s32 $0x1  }
0x2: {  	[smem:$0x3F9E] =	sst lr;
	_ =	strace $0xD0000000  }
0x3: {  	_ = 	snop  }
0x4: {  	_ = 	snop  }
0x5: {  	_ = 	snop  }
0x6: {  	_ = 	snop  }
0x7: {  	_ = 	snop  }
__scs_overlays_trampoline_lowered:
0x8: {  	[smem:$0x3FAD] =	sst s0  }
0x9: {  	[smem:$0x3FAE] =	sst s1  }
0xa: {  	[smem:$0x3FAF] =	sst s2  }
0xb: {  	[smem:$0x3FB0] =	sst s3  }
0xc: {  	[smem:$0x3FB1] =	sst s4  }
0xd: {  	[smem:$0x3FB2] =	sst s5  }
0xe: {  	[smem:$0x3FB3] =	sst s6  }
0xf: {  	[smem:$0x3FB4] =	sst s7  }
0x10: {  	[smem:$0x3FB5] =	sst s8  }
0x11: {  	[smem:$0x3FB6] =	sst s9;
	s0 =	simm.s32 @!p0 $0x0  }
0x12: {  	s1 =	sld [smem:$0x3F9C];
	s0 =	simm.s32 @p0 $0x1  }
0x13: {  	[smem:$0x3FB7] =	sst s0;
	s0 =	simm.s32 @!p1 $0x0  }
0x14: {  	s2 =	sld [smem:$0x3F9B];
	s0 =	simm.s32 @p1 $0x1  }
0x15: {  	[smem:$0x3FB8] =	sst s0;
	s0 =	simm.s32 @!p2 $0x0  }
0x16: {  	s3 =	sld [smem:$0x3FDB];
	s0 =	simm.s32 @p2 $0x1  }
0x17: {  	s4 =	simm.s32 $0x1BF5;
	[smem:$0x3FBA] =	sst s0  }
0x18: {  	s0 =	sld [smem:$0x3F9D];
	_ =	swait.ge [sflag:s4], $0x0  }
0x19: {  	s7 =	sld [smem:$0x3F9E]  }
0x1a: {  	s8 =	sadd.s32 $0xFFFFE003, lr  }
0x1b: {  	s9 =	sadd.s32 $0xFFFFFEF7, lr;
	s5 =	simm.s32 $0xFFFFFFFF;
	p2 =	slt.u32 s8, $0xFFFFF086  }
0x1c: {  	p1 =	slt.u32 s9, $0xF7A;
	s5 =	simm.s32 @!p2 $0x0  }
0x1d: {  	s5 =	simm.s32 @p1 $0x1;
	p0 =	seq.s32 s7, s2  }
0x1e: {  	s7 =	smul.u32 @!p0 $0xF7A, s2;
	p2 =	seq.s32 @!p0 s5, $0x0  }
0x1f: {  	s9 =	smul.u32 $0xF7A, s1;
	s8 =	simm.s32 @!p0 $0x1BF5;
	p2 =	por !p2, p0  }
0x20: {  	[sflag:s8] =	ssyncset.s32 @!p0 $0xFFFFF086;
	s6 =	sadd.s32 @!p0 s3, s7;
	s7 =	simm.s32 @!p0 $0x108  }
0x21: {  	s3 =	sadd.s32 s3, s9;
	s6 =	sadd.s32 @!p0 $0x88, s6;
	s7 =	simm.s32 @p2 $0x1082  }
0x22: {  	[simem:s7], [sflag:s8] =	dma.local @!p0 [hbm:s6], $0xF7A  }
0x23: {  	s9 =	sor.u32 $0xD0000000, s2;
	s6 =	simm.s32 $0x108;
	_ =	swait.ge @!p0 [sflag:s8], $0x0  }
0x24: {  	s3 =	sadd.s32 $0x88, s3;
	s6 =	simm.s32 @!p1 $0x1082;
	[sflag:s4] =	ssyncset.s32 $0xFFFFF086  }
0x25: {  	[simem:s6], [sflag:s4] =	dma.local [hbm:s3], $0xF7A  }
0x26: {  	[smem:$0x3F9E] =	sst s1;
	(tag) =	ssettag s2;
	_ =	strace s9  }
0x27: {  	s1 =	sld [smem:$0x3FAE]  }
0x28: {  	s2 =	sld [smem:$0x3FAF]  }
0x29: {  	s4 =	sld [smem:$0x3FB1]  }
0x2a: {  	p0 =	seq.s32 s5, $0x0;
	s5 =	sld [smem:$0x3FB2]  }
0x2b: {  	s6 =	sld [smem:$0x3FB3]  }
0x2c: {  	s7 =	sld [smem:$0x3FB4]  }
0x2d: {  	s3 =	simm.s32 $0x108;
	s8 =	sld [smem:$0x3FB5]  }
0x2e: {  	s3 =	simm.s32 @!p0 $0x1082;
	s9 =	sld [smem:$0x3FB6]  }
0x2f: {  	lr =	sadd.s32 s0, s3;
	s0 =	sld [smem:$0x3FAD]  }
0x30: {  	s3 =	sld [smem:$0x3FB0]  }
0x31: {  	[smem:$0x3FB9] =	sst s10  }
0x32: {  	s10 =	sld [smem:$0x3FB7];
	_ =	sdelay $0x3  }
0x33: {  	p0 =	seq.s32 s10, $0x1;
	s10 =	sld [smem:$0x3FB9];
	_ =	sdelay $0x3  }
0x34: {  	[smem:$0x3FB9] =	sst s10  }
0x35: {  	s10 =	sld [smem:$0x3FB8];
	_ =	sdelay $0x3  }
0x36: {  	p1 =	seq.s32 s10, $0x1;
	s10 =	sld [smem:$0x3FB9];
	_ =	sdelay $0x3  }
0x37: {  	[smem:$0x3FB9] =	sst s10  }
0x38: {  	s10 =	sld [smem:$0x3FBA]  }
0x39: {  	_ = 	snop;
	(pc) =	sbr.ind lr, $3  }
0x3a: {  	_ = 	snop  }
0x3b: {  	_ = 	snop  }
0x3c: {  	p2 =	seq.s32 s10, $0x1;
	s10 =	sld [smem:$0x3FB9]  }
0x3d: {  	_ =	shalt  }
0x3e: {  	_ =	shalt  }
0x3f: {  	_ =	shalt  }
0x40: {  	_ =	shalt  }
0x41: {  	_ =	shalt  }
0x42: {  	_ =	shalt  }
0x43: {  	_ =	shalt  }
0x44: {  	_ =	shalt  }
0x45: {  	_ =	shalt  }
0x46: {  	_ =	shalt  }
0x47: {  	_ =	shalt  }
0x48: {  	_ =	shalt  }
0x49: {  	_ =	shalt  }
0x4a: {  	_ =	shalt  }
0x4b: {  	_ =	shalt  }
0x4c: {  	_ =	shalt  }
0x4d: {  	_ =	shalt  }
0x4e: {  	_ =	shalt  }
0x4f: {  	_ =	shalt  }
0x50: {  	_ =	shalt  }
0x51: {  	_ =	shalt  }
0x52: {  	_ =	shalt  }
0x53: {  	_ =	shalt  }
0x54: {  	_ =	shalt  }
0x55: {  	_ =	shalt  }
0x56: {  	_ =	shalt  }
0x57: {  	_ =	shalt  }
0x58: {  	_ =	shalt  }
0x59: {  	_ =	shalt  }
0x5a: {  	_ =	shalt  }
0x5b: {  	_ =	shalt  }
0x5c: {  	_ =	shalt  }
0x5d: {  	_ =	shalt  }
0x5e: {  	_ =	shalt  }
0x5f: {  	_ =	shalt  }
0x60: {  	_ =	shalt  }
0x61: {  	_ =	shalt  }
0x62: {  	_ =	shalt  }
0x63: {  	_ =	shalt  }
0x64: {  	_ =	shalt  }
0x65: {  	_ =	shalt  }
0x66: {  	_ =	shalt  }
0x67: {  	_ =	shalt  }
0x68: {  	_ =	shalt  }
0x69: {  	_ =	shalt  }
0x6a: {  	_ =	shalt  }
0x6b: {  	_ =	shalt  }
0x6c: {  	_ =	shalt  }
0x6d: {  	_ =	shalt  }
0x6e: {  	_ =	shalt  }
0x6f: {  	_ =	shalt  }
0x70: {  	_ =	shalt  }
0x71: {  	_ =	shalt  }
0x72: {  	_ =	shalt  }
0x73: {  	_ =	shalt  }
0x74: {  	_ =	shalt  }
0x75: {  	_ =	shalt  }
0x76: {  	_ =	shalt  }
0x77: {  	_ =	shalt  }
0x78: {  	_ =	shalt  }
0x79: {  	_ =	shalt  }
0x7a: {  	_ =	shalt  }
0x7b: {  	_ =	shalt  }
0x7c: {  	_ =	shalt  }
0x7d: {  	_ =	shalt  }
0x7e: {  	_ =	shalt  }
0x7f: {  	_ =	shalt  }
0x80: {  	_ =	shalt  }
0x81: {  	_ =	shalt  }
0x82: {  	_ =	shalt  }
0x83: {  	_ =	shalt  }
0x84: {  	_ =	shalt  }
0x85: {  	_ =	shalt  }
0x86: {  	_ =	shalt  }
0x87: {  	_ =	shalt  }
.Lfunc_end0:
.L_simem_size_0:
called_computation_lowered:
.L_overlay_start_0:
0x88: {  	s2 =	sld [smem:$0x3FD9]  }
0x89: {  	s3 =	sld [smem:$0x3FFE];
	_ =	sdelay $0x1  }
0x8a: {  	s1 =	srdreg.scid  }
0x8b: {  	s0 =	sand.u32 $0x1, s1  }
0x8c: {  	s17 =	sshll.u32 s0, $0xA;
	s2 =	sadd.s32 s3, s2  }
0x8d: {  	s2 =	sadd.s32 s2, s17  }
0x8e: {  	[smem:$0x3FC5] =	sst s2  }
0x8f: {  	_ = 	snop  }
0x90: {  	s2 =	sld [smem:$0x3FC9]  }
0x91: {  	s18 =	sld [smem:$0x3FC8]  }
0x92: {  	s4 =	sld [smem:$0x3FC7];
	(tm) =	ssettm $0x1  }
0x93: {  	s5 =	sld [smem:$0x3FFB];
	_ =	sdelay $0x3  }
0x94: {  	_ =	strace s5  }
0x95: {  	s5 =	sld [smem:$0x3FFC];
	_ =	sdelay $0x3  }
0x96: {  	_ =	strace s5  }
0x97: {  	s5 =	sld [smem:$0x3FFD];
	_ =	sdelay $0x3  }
0x98: {  	_ =	strace s5  }
0x99: {  	_ =	strace $0x8FFFFFFF  }
0x9a: {  	s19 =	sld [smem:$0x3FDB];
	_ =	sdelay $0x1  }
0x9b: {  	s6 =	simm.s32 $_scs_section_size  }
0x9c: {  	s7 =	simm.s32 $_size__tile_overlayer_lowered;
	s8 =	simm.s32 $_tile_overlayer_lowered  }
0x9d: {  	s22 =	simm.s32 $0x1BFF;
	s21 =	sshll.u32 s8, $0x1;
	s5 =	sadd.s32 s6, s19  }
0x9e: {  	s9 =	simm.s32 $0x0;
	s20 =	sshll.u32 s7, $0x1;
	s7 =	sadd.s32 s21, s5  }
0x9f: {  	[timem:s9], [sflag:s22] =	dma.local [hbm:s7], s20  }
0xa0: {  	_ =	swait.ge [sflag:s22], s20  }
0xa1: {  	s6 =	ssub.s32 $0x0, s20;
	[sflag:s22] =	ssyncset.done $0x0  }
0xa2: {  	[sflag:s22] =	ssyncadd.s32 s6;
	_ =	sdelay $0x1  }
0xa3: {  	s23 =	simm.s32 $0x1B8B  }
0xa4: {  	_ =	swait.ge [sflag:s23], $0x1  }
0xa5: {  	[sflag:s23] =	ssyncset.done $0x0  }
0xa6: {  	s25 =	simm.s32 $0x1B8E;
	s24 =	sld [smem:$0x3FFE];
	[sflag:s23] =	ssyncadd.s32 $0xFFFFFFFF  }
0xa7: {  	s26 =	simm.s32 $execute0_lowered;
	[smem:$0x3FD2] =	sst s25  }
0xa8: {  	s7 =	sshll.u32 s26, $0x1;
	_ =	strace $0x80000046;
	[dreg:$0x1] =	wrdreg $0xFFFFFFFF  }
0xa9: {  	s28 =	simm.s32 $_size_execute0_lowered;
	s5 =	sadd.s32 s5, s7;
	[dreg:$0x0] =	wrdreg $0x0  }
0xaa: {  	s7 =	sshll.u32 s28, $0x1;
	[dreg:$0x2] =	wrdreg s5  }
0xab: {  	[dreg:$0x3] =	wrdreg s7  }
0xac: {  	[dreg:$0x4] =	wrdreg $0xC0  }
0xad: {  	_ =	task [dreg:s9], $0x5FFFF  }
0xae: {  	[dreg:$0x1] =	wrdreg $0xFFFFFFFF  }
0xaf: {  	[dreg:$0x0] =	wrdreg $0x60  }
0xb0: {  	[dreg:$0x2] =	wrdreg s2  }
0xb1: {  	[dreg:$0x3] =	wrdreg s18  }
0xb2: {  	[dreg:$0x4] =	wrdreg s4  }
0xb3: {  	[dreg:$0x5] =	wrdreg s24  }
0xb4: {  	[dreg:$0x6] =	wrdreg $0x9  }
0xb5: {  	_ =	task.clear_ibuf [dreg:s9], $0x7FFFF;
	_ =	strace $0x90000046  }
0xb6: {  	s29 =	simm.s32 $0x9;
	_ =	strace $0x80000048  }
0xb7: {  	_ =	swait.ge [sflag:s29], $0x1  }
0xb8: {  	[sflag:s29] =	ssyncadd.s32 $0xFFFFFFFF  }
0xb9: {  	_ =	strace $0x90000048  }
0xba: {  	_ =	sfence  }
0xbb: {  	s30 =	sld [smem:$0x0];
	_ =	sdelay $0x2  }
0xbc: {  	s31 =	sshll.u32 s1, $0xD;
	s1 =	sshrl.u32 s1, $0x2  }
0xbd: {  	s3 =	sand.u32 $0x4000, s31;
	s1 =	sadd.s32 s1, s30  }
0xbe: {  	s0 =	sor.u32 s3, s0;
	s1 =	sshll.u32 s1, $0x11  }
0xbf: {  	s0 =	sor.u32 s1, s0  }
0xc0: {  	s0 =	sadd.s32 $0x8F2B, s0  }
0xc1: {  	[sflag:s0] =	ssyncadd.remote.s32 $0x1  }
0xc2: {  	_ =	sfence.sel $0xFFFF  }
0xc3: {  	[dreg:$0x0] =	wrdreg $0xFFFFFFFF;
	(pc) =	sbr.abs _section_cstart, $3  }
0xc4: {  	[dreg:$0x1] =	wrdreg $0xFFFFFFFF  }
0xc5: {  	_ =	task.clear_ibuf [dreg:s9], $0x2FFFF;
	_ =	strace $0x9FFFFFFF  }
0xc6: {  	(tm) =	ssettm $0x7FFFFFFF  }
0xc7: {  	_ =	shalt  }
tec
execute0_lowered:
.L_overlay_start_1:
0x0: {  	(tag) =	ssettag $0x1  }
0x1: {  	s4 =	rddreg [dreg:$0x0]  }
0x2: {  	s5 =	rddreg [dreg:$0x1]  }
0x3: {  	s2 =	rddreg [dreg:$0x2]  }
0x4: {  	s6 =	rddreg [dreg:$0x3]  }
0x5: {  	s0 =	rddreg [dreg:$0x4]  }
0x6: {  	s7 =	srdreg.scid;
	s1 =	stileid.u32;
	s3 =	simm.s32 $0x0  }
0x7: {  	s11 =	simm.s32 $0x5;
	s12 =	simm.s32 $0x80;
	s13 =	simm.s32 $0x200  }
0x8: {  	s14 =	simm.s32 $0x8200;
	s15 =	simm.s32 $0x4200;
	s16 =	simm.s32 $0xC200  }
0x9: {  	s17 =	simm.s32 $0x1;
	s18 =	simm.s32 $0x3;
	s19 =	simm.s32 $0x100  }
0xa: {  	s20 =	simm.s32 $0x2;
	s21 =	simm.s32 $0x4;
	s22 =	simm.s32 $0x180  }
0xb: {  	s23 =	simm.s32 $0x10200;
	s7 =	sand.u32 $0x1, s7;
	s8 =	sshll.u32 s1, $0x1  }
0xc: {  	s24 =	simm.s32 $0x0;
	[smem:$0x7FF] =	sst s3;
	s8 =	sor.u32 s7, s8  }
0xd: {  	_ =	strace $0x80000047;
	s30 =	ssub.s32 $0x2, s7;
	s9 =	sshll.u32 s8, $0x4  }
0xe: {  	s31 =	sshll.u32 s8, $0xD;
	s10 =	sshrl.u32 s30, $0x1;
	s8 =	sshll.u32 s8, $0x6  }
0xf: {  	s9 =	sadd.s32 s9, s6;
	s4 =	sadd.s32 s4, s31;
	s10 =	ssub.s32 s30, s10  }
0x10: {  	s5 =	sadd.s32 s5, s8;
	s6 =	sadd.s32 $0x800, s4;
	s7 =	sadd.s32 $0x1000, s4  }
0x11: {  	s8 =	sadd.s32 $0x1800, s4;
	s9 =	sadd.s32 $0x200, s9;
	s10 =	smax.u32 s10, $0x1  }
.LBB2_1:
0x12: {  	[tilespmem:s3], [sflag:$0x5] =	stream.linear.gather [hbm4b:s5+s3], $0x200, $0x38;
	[tilespmem:$0x10280] =	vst v63  }
0x13: {  	_ =	swait.ge [sflag:s11], $0x200  }
0x14: {  	[sflag:s11] =	ssyncset.done $0x0  }
0x15: {  	[sflag:s11] =	ssyncadd.s32 $0xFFFFFE00  }
0x16: {  	[tilespmem:s13], [sflag:$0x1] =	stream.indirect.gather [hbm4b:s2+s12], $0x80, s3, s12, $0xb8;
	[tilespmem:$0x10280] =	vst v63  }
0x17: {  	_ = 	snop  }
0x18: {  	[tilespmem:s14], [sflag:$0x3] =	stream.linear.gather [hbm4b:s4+s3], $0x4000, $0x38;
	[tilespmem:$0x10280] =	vst v63  }
0x19: {  	_ = 	snop  }
0x1a: {  	[tilespmem:s15], [sflag:$0x2] =	stream.indirect.gather [hbm4b:s2+s12], $0x80, s12, s12, $0xb8;
	[tilespmem:$0x10280] =	vst v63  }
0x1b: {  	_ = 	snop  }
0x1c: {  	[tilespmem:s16], [sflag:$0x4] =	stream.linear.gather [hbm4b:s6+s3], $0x4000, $0x38;
	[tilespmem:$0x10280] =	vst v63  }
0x1d: {  	_ =	swait.ge [sflag:s17], $0x4000  }
0x1e: {  	[sflag:s17] =	ssyncset.done $0x0  }
0x1f: {  	[sflag:s17] =	ssyncadd.s32 $0xFFFFC000  }
0x20: {  	_ =	swait.ge [sflag:s18], $0x4000  }
0x21: {  	[sflag:s18] =	ssyncset.done $0x0  }
0x22: {  	s25 =	simm.s32 $0x0;
	[sflag:s18] =	ssyncadd.s32 $0xFFFFC000  }
0x23: {  	v0 =	vld [tilespmem:s25+$0x82C0]  }
0x24: {  	v1 =	vld [tilespmem:s25+$0x2C0]  }
0x25: {  	v2 =	vld [tilespmem:s25+$0x82D0]  }
0x26: {  	v3 =	vld [tilespmem:s25+$0x2D0]  }
0x27: {  	v4 =	vld [tilespmem:s25+$0x82E0]  }
0x28: {  	v5 =	vld [tilespmem:s25+$0x2E0]  }
0x29: {  	v26 =	vld [tilespmem:s25+$0x82F0]  }
0x2a: {  	v28 =	vld [tilespmem:s25+$0x2F0]  }
0x2b: {  	v20 =	vld [tilespmem:s25+$0x8280]  }
0x2c: {  	v29 =	vld [tilespmem:s25+$0x280]  }
0x2d: {  	v6 =	vld [tilespmem:s25+$0x8290]  }
0x2e: {  	v7 =	vld [tilespmem:s25+$0x290]  }
0x2f: {  	v8 =	vld [tilespmem:s25+$0x82A0]  }
0x30: {  	v14 =	vld [tilespmem:s25+$0x2A0]  }
0x31: {  	v9 =	vld [tilespmem:s25+$0x82B0]  }
0x32: {  	v11 =	vld [tilespmem:s25+$0x2B0]  }
0x33: {  	v18 =	vld [tilespmem:s25+$0x8240]  }
0x34: {  	v19 =	vld [tilespmem:s25+$0x240]  }
0x35: {  	v13 =	vld [tilespmem:s25+$0x8250]  }
0x36: {  	v15 =	vld [tilespmem:s25+$0x250]  }
0x37: {  	v10 =	vld [tilespmem:s25+$0x8260]  }
0x38: {  	v12 =	vld [tilespmem:s25+$0x260]  }
0x39: {  	v23 =	vld [tilespmem:s25+$0x8200]  }
0x3a: {  	v25 =	vld [tilespmem:s25+$0x200]  }
0x3b: {  	v21 =	vld [tilespmem:s25+$0x8210]  }
0x3c: {  	v24 =	vld [tilespmem:s25+$0x210];
	v16 =	vsub.f32 v0, v1  }
0x3d: {  	v22 =	vld [tilespmem:s25+$0x8220];
	v17 =	vsub.f32 v2, v3;
	v1 =	vsub.f32 v4, v5  }
0x3e: {  	v27 =	vld [tilespmem:s25+$0x220];
	v3 =	vimm.f32 $0.0e+00;
	v20 =	vsub.f32 v20, v29;
	v0 =	vsub.f32 v26, v28  }
0x3f: {  	s26 =	simm.s32 $0x400;
	v26 =	vld [tilespmem:s25+$0x8230];
	v5 =	vimm.f32 $0.0e+00;
	v4 =	vimm.f32 $0.0e+00;
	v2 =	vimm.f32 $0.0e+00  }
.LBB2_2:
0x40: {  	p0 =	sne.s32 s26, $0xFC00;
	v28 =	vld [tilespmem:s25+$0x230];
	v6 =	vsub.f32 v6, v7;
	v7 =	vsub.f32 v8, v14  }
0x41: {  	v8 =	vsub.f32 v18, v19;
	v9 =	vsub.f32 v9, v11;
	v14 =	vld [tilespmem:s25+$0x8270]  }
0x42: {  	v11 =	vsub.f32 v23, v25;
	v13 =	vsub.f32 v13, v15;
	v15 =	vld [tilespmem:s25+$0x270];
	s25 =	sshra.s32 s26, $0x2  }
0x43: {  	v16 =	vmul.f32 v16, v16;
	v17 =	vmul.f32 v17, v17;
	v18 =	vsub.f32 v21, v24;
	v29 =	vld [tilespmem:s25+$0x82C0]  }
0x44: {  	v20 =	vmul.f32 v20, v20;
	v6 =	vmul.f32 v6, v6;
	v19 =	vsub.f32 v22, v27;
	v30 =	vld [tilespmem:s25+$0x2C0]  }
0x45: {  	v8 =	vmul.f32 v8, v8;
	v13 =	vmul.f32 v13, v13;
	v31 =	vld [tilespmem:s25+$0x82D0];
	v21 =	vsub.f32 v26, v28  }
0x46: {  	v10 =	vsub.f32 v10, v12;
	v11 =	vmul.f32 v11, v11;
	v18 =	vmul.f32 v18, v18;
	v26 =	vld [tilespmem:s25+$0x2D0]  }
0x47: {  	v12 =	vmul.f32 v19, v19;
	v28 =	vld [tilespmem:s25+$0x82E0];
	v19 =	vmul.f32 v21, v21;
	v14 =	vsub.f32 v14, v15  }
0x48: {  	v10 =	vmul.f32 v10, v10;
	v3 =	vadd.f32 v11, v3;
	v5 =	vadd.f32 v18, v5;
	v32 =	vld [tilespmem:s25+$0x2E0]  }
0x49: {  	v4 =	vadd.f32 v12, v4;
	v33 =	vld [tilespmem:s25+$0x82F0];
	v2 =	vadd.f32 v19, v2;
	v11 =	vmul.f32 v14, v14  }
0x4a: {  	v7 =	vmul.f32 v7, v7;
	v3 =	vadd.f32 v8, v3;
	v5 =	vadd.f32 v13, v5;
	v34 =	vld [tilespmem:s25+$0x2F0]  }
0x4b: {  	v8 =	vmul.f32 v9, v9;
	v4 =	vadd.f32 v10, v4;
	v35 =	vld [tilespmem:s25+$0x8280];
	v2 =	vadd.f32 v11, v2  }
0x4c: {  	v1 =	vmul.f32 v1, v1;
	v3 =	vadd.f32 v20, v3;
	v5 =	vadd.f32 v6, v5;
	v36 =	vld [tilespmem:s25+$0x280]  }
0x4d: {  	v0 =	vmul.f32 v0, v0;
	v4 =	vadd.f32 v7, v4;
	v6 =	vld [tilespmem:s25+$0x8290];
	v2 =	vadd.f32 v8, v2  }
0x4e: {  	v3 =	vadd.f32 v16, v3;
	v5 =	vadd.f32 v17, v5;
	v7 =	vld [tilespmem:s25+$0x290]  }
0x4f: {  	v4 =	vadd.f32 v1, v4;
	v8 =	vld [tilespmem:s25+$0x82A0];
	v2 =	vadd.f32 v0, v2  }
0x50: {  	v14 =	vld [tilespmem:s25+$0x2A0]  }
0x51: {  	v9 =	vld [tilespmem:s25+$0x82B0]  }
0x52: {  	v11 =	vld [tilespmem:s25+$0x2B0]  }
0x53: {  	v18 =	vld [tilespmem:s25+$0x8240]  }
0x54: {  	v19 =	vld [tilespmem:s25+$0x240]  }
0x55: {  	v13 =	vld [tilespmem:s25+$0x8250]  }
0x56: {  	v15 =	vld [tilespmem:s25+$0x250]  }
0x57: {  	v10 =	vld [tilespmem:s25+$0x8260]  }
0x58: {  	v12 =	vld [tilespmem:s25+$0x260]  }
0x59: {  	v23 =	vld [tilespmem:s25+$0x8200]  }
0x5a: {  	v25 =	vld [tilespmem:s25+$0x200]  }
.Ltmp0:
0x5b: {  	v21 =	vld [tilespmem:s25+$0x8210];
	(pc) =	sbr.rel @p0 .LBB2_2-.Ltmp0, $4  }
0x5c: {  	v24 =	vld [tilespmem:s25+$0x210]  }
0x5d: {  	v16 =	vsub.f32 v29, v30;
	v22 =	vld [tilespmem:s25+$0x8220]  }
0x5e: {  	v17 =	vsub.f32 v31, v26;
	v1 =	vsub.f32 v28, v32;
	v27 =	vld [tilespmem:s25+$0x220]  }
0x5f: {  	s26 =	sadd.s32 $0x400, s26;
	v0 =	vsub.f32 v33, v34;
	v20 =	vsub.f32 v35, v36;
	v26 =	vld [tilespmem:s25+$0x8230]  }
0x60: {  	v28 =	vld [tilespmem:s25+$0x230]  }
0x61: {  	v29 =	vld [tilespmem:s25+$0x8270]  }
0x62: {  	v30 =	vld [tilespmem:s25+$0x270];
	[tilespmem:s13], [sflag:$0x1] =	stream.indirect.gather [hbm4b:s2+s12], $0x80, s19, s12, $0xb8  }
0x63: {  	s31 =	simm.s32 $0x0  }
0x64: {  	[tilespmem:s14], [sflag:$0x3] =	stream.linear.gather [hbm4b:s7+s31], $0x4000, $0x38;
	[tilespmem:$0x10280] =	vst v63  }
0x65: {  	_ =	swait.ge [sflag:s20], $0x4000  }
0x66: {  	[sflag:s20] =	ssyncset.done $0x0  }
0x67: {  	[sflag:s20] =	ssyncadd.s32 $0xFFFFC000  }
0x68: {  	_ =	swait.ge [sflag:s21], $0x4000  }
0x69: {  	[sflag:s21] =	ssyncset.done $0x0  }
0x6a: {  	s25 =	simm.s32 $0x0;
	[sflag:s21] =	ssyncadd.s32 $0xFFFFC000  }
0x6b: {  	v31 =	vld [tilespmem:s25+$0xC2C0]  }
0x6c: {  	v32 =	vld [tilespmem:s25+$0x42C0]  }
0x6d: {  	v33 =	vld [tilespmem:s25+$0xC2D0]  }
0x6e: {  	v34 =	vld [tilespmem:s25+$0x42D0]  }
0x6f: {  	v35 =	vld [tilespmem:s25+$0xC2E0]  }
0x70: {  	v36 =	vld [tilespmem:s25+$0x42E0]  }
0x71: {  	v37 =	vld [tilespmem:s25+$0xC2F0]  }
0x72: {  	v38 =	vld [tilespmem:s25+$0x42F0]  }
0x73: {  	v39 =	vld [tilespmem:s25+$0xC280]  }
0x74: {  	v40 =	vld [tilespmem:s25+$0x4280]  }
0x75: {  	v41 =	vsub.f32 v6, v7;
	v42 =	vsub.f32 v8, v14;
	v6 =	vld [tilespmem:s25+$0xC290]  }
0x76: {  	v14 =	vsub.f32 v18, v19;
	v43 =	vsub.f32 v9, v11;
	v7 =	vld [tilespmem:s25+$0x4290]  }
0x77: {  	v9 =	vsub.f32 v23, v25;
	v13 =	vsub.f32 v13, v15;
	v8 =	vld [tilespmem:s25+$0xC2A0]  }
0x78: {  	v18 =	vsub.f32 v21, v24;
	v19 =	vsub.f32 v22, v27;
	v11 =	vld [tilespmem:s25+$0x42A0]  }
0x79: {  	v16 =	vmul.f32 v16, v16;
	v21 =	vmul.f32 v9, v9;
	v15 =	vsub.f32 v26, v28;
	v9 =	vld [tilespmem:s25+$0xC2B0]  }
0x7a: {  	v10 =	vsub.f32 v10, v12;
	v18 =	vmul.f32 v18, v18;
	v19 =	vmul.f32 v19, v19;
	v12 =	vld [tilespmem:s25+$0x42B0]  }
0x7b: {  	v3 =	vadd.f32 v21, v3;
	v22 =	vsub.f32 v29, v30;
	v23 =	vmul.f32 v15, v15;
	v15 =	vld [tilespmem:s25+$0xC240]  }
0x7c: {  	v5 =	vadd.f32 v18, v5;
	v18 =	vmul.f32 v14, v14;
	v4 =	vadd.f32 v19, v4;
	v19 =	vld [tilespmem:s25+$0x4240]  }
0x7d: {  	v13 =	vmul.f32 v13, v13;
	v10 =	vmul.f32 v10, v10;
	v14 =	vld [tilespmem:s25+$0xC250]  }
0x7e: {  	v20 =	vmul.f32 v20, v20;
	v21 =	vmul.f32 v22, v22;
	v3 =	vadd.f32 v18, v3;
	v18 =	vld [tilespmem:s25+$0x4250]  }
0x7f: {  	v5 =	vadd.f32 v13, v5;
	v22 =	vmul.f32 v41, v41;
	v4 =	vadd.f32 v10, v4;
	v10 =	vld [tilespmem:s25+$0xC260]  }
0x80: {  	v17 =	vmul.f32 v17, v17;
	v2 =	vadd.f32 v23, v2;
	v23 =	vmul.f32 v42, v42;
	v13 =	vld [tilespmem:s25+$0x4260]  }
0x81: {  	v1 =	vmul.f32 v1, v1;
	v3 =	vadd.f32 v20, v3;
	v5 =	vadd.f32 v22, v5;
	v22 =	vld [tilespmem:s25+$0xC210]  }
0x82: {  	v20 =	vmul.f32 v43, v43;
	v25 =	vld [tilespmem:s25+$0x4210];
	v2 =	vadd.f32 v21, v2;
	v24 =	vadd.f32 v23, v4  }
0x83: {  	v27 =	vld [tilespmem:s25+$0x4220];
	v4 =	vadd.f32 v16, v3;
	v5 =	vadd.f32 v17, v5  }
0x84: {  	v21 =	vld [tilespmem:s25+$0xC200];
	v20 =	vadd.f32 v20, v2;
	v2 =	vadd.f32 v1, v24  }
0x85: {  	v0 =	vmul.f32 v0, v0;
	v23 =	vld [tilespmem:s25+$0x4200];
	v16 =	vsub.f32 v31, v32;
	v17 =	vsub.f32 v33, v34  }
0x86: {  	v26 =	vld [tilespmem:s25+$0xC230];
	v3 =	vsub.f32 v35, v36;
	v1 =	vsub.f32 v37, v38  }
0x87: {  	s26 =	simm.s32 $0x400;
	v24 =	vld [tilespmem:s25+$0xC220];
	v0 =	vadd.f32 v0, v20;
	v20 =	vsub.f32 v39, v40  }
.LBB2_4:
0x88: {  	p0 =	sne.s32 s26, $0xFC00;
	v28 =	vld [tilespmem:s25+$0x4230];
	v6 =	vsub.f32 v6, v7;
	v7 =	vsub.f32 v8, v11  }
0x89: {  	v8 =	vsub.f32 v15, v19;
	v9 =	vsub.f32 v9, v12;
	v11 =	vld [tilespmem:s25+$0xC270]  }
0x8a: {  	v12 =	vsub.f32 v21, v23;
	v14 =	vsub.f32 v14, v18;
	v15 =	vld [tilespmem:s25+$0x4270];
	s25 =	sshra.s32 s26, $0x2  }
0x8b: {  	v16 =	vmul.f32 v16, v16;
	v17 =	vmul.f32 v17, v17;
	v18 =	vsub.f32 v22, v25;
	v29 =	vld [tilespmem:s25+$0xC2C0]  }
0x8c: {  	v20 =	vmul.f32 v20, v20;
	v6 =	vmul.f32 v6, v6;
	v19 =	vsub.f32 v24, v27;
	v30 =	vld [tilespmem:s25+$0x42C0]  }
0x8d: {  	v8 =	vmul.f32 v8, v8;
	v14 =	vmul.f32 v14, v14;
	v31 =	vld [tilespmem:s25+$0xC2D0];
	v21 =	vsub.f32 v26, v28  }
0x8e: {  	v10 =	vsub.f32 v10, v13;
	v12 =	vmul.f32 v12, v12;
	v18 =	vmul.f32 v18, v18;
	v26 =	vld [tilespmem:s25+$0x42D0]  }
0x8f: {  	v13 =	vmul.f32 v19, v19;
	v28 =	vld [tilespmem:s25+$0xC2E0];
	v19 =	vmul.f32 v21, v21;
	v11 =	vsub.f32 v11, v15  }
0x90: {  	v10 =	vmul.f32 v10, v10;
	v4 =	vadd.f32 v12, v4;
	v5 =	vadd.f32 v18, v5;
	v32 =	vld [tilespmem:s25+$0x42E0]  }
0x91: {  	v2 =	vadd.f32 v13, v2;
	v33 =	vld [tilespmem:s25+$0xC2F0];
	v0 =	vadd.f32 v19, v0;
	v11 =	vmul.f32 v11, v11  }
0x92: {  	v7 =	vmul.f32 v7, v7;
	v4 =	vadd.f32 v8, v4;
	v5 =	vadd.f32 v14, v5;
	v34 =	vld [tilespmem:s25+$0x42F0]  }
0x93: {  	v8 =	vmul.f32 v9, v9;
	v2 =	vadd.f32 v10, v2;
	v35 =	vld [tilespmem:s25+$0xC280];
	v0 =	vadd.f32 v11, v0  }
0x94: {  	v3 =	vmul.f32 v3, v3;
	v4 =	vadd.f32 v20, v4;
	v5 =	vadd.f32 v6, v5;
	v36 =	vld [tilespmem:s25+$0x4280]  }
0x95: {  	v1 =	vmul.f32 v1, v1;
	v2 =	vadd.f32 v7, v2;
	v6 =	vld [tilespmem:s25+$0xC290];
	v0 =	vadd.f32 v8, v0  }
0x96: {  	v4 =	vadd.f32 v16, v4;
	v5 =	vadd.f32 v17, v5;
	v7 =	vld [tilespmem:s25+$0x4290]  }
0x97: {  	v2 =	vadd.f32 v3, v2;
	v8 =	vld [tilespmem:s25+$0xC2A0];
	v0 =	vadd.f32 v1, v0  }
0x98: {  	v11 =	vld [tilespmem:s25+$0x42A0]  }
0x99: {  	v9 =	vld [tilespmem:s25+$0xC2B0]  }
0x9a: {  	v12 =	vld [tilespmem:s25+$0x42B0]  }
0x9b: {  	v15 =	vld [tilespmem:s25+$0xC240]  }
0x9c: {  	v19 =	vld [tilespmem:s25+$0x4240]  }
0x9d: {  	v14 =	vld [tilespmem:s25+$0xC250]  }
0x9e: {  	v18 =	vld [tilespmem:s25+$0x4250]  }
0x9f: {  	v10 =	vld [tilespmem:s25+$0xC260]  }
0xa0: {  	v13 =	vld [tilespmem:s25+$0x4260]  }
0xa1: {  	v21 =	vld [tilespmem:s25+$0xC200]  }
0xa2: {  	v23 =	vld [tilespmem:s25+$0x4200]  }
.Ltmp1:
0xa3: {  	v22 =	vld [tilespmem:s25+$0xC210];
	(pc) =	sbr.rel @p0 .LBB2_4-.Ltmp1, $4  }
0xa4: {  	v25 =	vld [tilespmem:s25+$0x4210]  }
0xa5: {  	v16 =	vsub.f32 v29, v30;
	v24 =	vld [tilespmem:s25+$0xC220]  }
0xa6: {  	v17 =	vsub.f32 v31, v26;
	v3 =	vsub.f32 v28, v32;
	v27 =	vld [tilespmem:s25+$0x4220]  }
0xa7: {  	s26 =	sadd.s32 $0x400, s26;
	v1 =	vsub.f32 v33, v34;
	v20 =	vsub.f32 v35, v36;
	v26 =	vld [tilespmem:s25+$0xC230]  }
0xa8: {  	v28 =	vld [tilespmem:s25+$0x4230]  }
0xa9: {  	v29 =	vld [tilespmem:s25+$0xC270]  }
0xaa: {  	v30 =	vld [tilespmem:s25+$0x4270];
	[tilespmem:s15], [sflag:$0x2] =	stream.indirect.gather [hbm4b:s2+s12], $0x80, s22, s12, $0xb8  }
0xab: {  	s31 =	simm.s32 $0x0  }
0xac: {  	[tilespmem:s16], [sflag:$0x4] =	stream.linear.gather [hbm4b:s8+s31], $0x4000, $0x38;
	[tilespmem:$0x10280] =	vst v63  }
0xad: {  	_ =	swait.ge [sflag:s17], $0x4000  }
0xae: {  	[sflag:s17] =	ssyncset.done $0x0  }
0xaf: {  	[sflag:s17] =	ssyncadd.s32 $0xFFFFC000  }
0xb0: {  	_ =	swait.ge [sflag:s18], $0x4000  }
0xb1: {  	[sflag:s18] =	ssyncset.done $0x0  }
0xb2: {  	s25 =	simm.s32 $0x0;
	[sflag:s18] =	ssyncadd.s32 $0xFFFFC000  }
0xb3: {  	v31 =	vld [tilespmem:s25+$0x82C0]  }
0xb4: {  	v32 =	vld [tilespmem:s25+$0x2C0]  }
0xb5: {  	v33 =	vld [tilespmem:s25+$0x82D0]  }
0xb6: {  	v34 =	vld [tilespmem:s25+$0x2D0]  }
0xb7: {  	v35 =	vld [tilespmem:s25+$0x82E0]  }
0xb8: {  	v36 =	vld [tilespmem:s25+$0x2E0]  }
0xb9: {  	v37 =	vld [tilespmem:s25+$0x82F0]  }
0xba: {  	v38 =	vld [tilespmem:s25+$0x2F0]  }
0xbb: {  	v39 =	vld [tilespmem:s25+$0x8280]  }
0xbc: {  	v40 =	vld [tilespmem:s25+$0x280]  }
0xbd: {  	v41 =	vsub.f32 v6, v7;
	v6 =	vld [tilespmem:s25+$0x8290]  }
0xbe: {  	v42 =	vsub.f32 v8, v11;
	v7 =	vld [tilespmem:s25+$0x290]  }
0xbf: {  	v43 =	vsub.f32 v9, v12;
	v9 =	vsub.f32 v21, v23;
	v8 =	vld [tilespmem:s25+$0x82A0]  }
0xc0: {  	v19 =	vsub.f32 v15, v19;
	v12 =	vsub.f32 v22, v25;
	v11 =	vld [tilespmem:s25+$0x2A0]  }
0xc1: {  	v10 =	vsub.f32 v10, v13;
	v21 =	vmul.f32 v9, v9;
	v15 =	vsub.f32 v24, v27;
	v9 =	vld [tilespmem:s25+$0x82B0]  }
0xc2: {  	v14 =	vsub.f32 v14, v18;
	v22 =	vmul.f32 v12, v12;
	v18 =	vsub.f32 v26, v28;
	v12 =	vld [tilespmem:s25+$0x2B0]  }
0xc3: {  	v10 =	vmul.f32 v10, v10;
	v4 =	vadd.f32 v21, v4;
	v13 =	vmul.f32 v15, v15;
	v15 =	vld [tilespmem:s25+$0x8240]  }
0xc4: {  	v21 =	vmul.f32 v19, v19;
	v23 =	vsub.f32 v29, v30;
	v18 =	vmul.f32 v18, v18;
	v19 =	vld [tilespmem:s25+$0x240]  }
0xc5: {  	v5 =	vadd.f32 v22, v5;
	v2 =	vadd.f32 v13, v2;
	v13 =	vmul.f32 v14, v14;
	v14 =	vld [tilespmem:s25+$0x8250]  }
0xc6: {  	v20 =	vmul.f32 v20, v20;
	v4 =	vadd.f32 v21, v4;
	v0 =	vadd.f32 v18, v0;
	v18 =	vld [tilespmem:s25+$0x250]  }
0xc7: {  	v16 =	vmul.f32 v16, v16;
	v22 =	vmul.f32 v23, v23;
	v2 =	vadd.f32 v10, v2;
	v10 =	vld [tilespmem:s25+$0x8260]  }
0xc8: {  	v21 =	vmul.f32 v41, v41;
	v4 =	vadd.f32 v20, v4;
	v5 =	vadd.f32 v13, v5;
	v13 =	vld [tilespmem:s25+$0x260]  }
0xc9: {  	v20 =	vmul.f32 v43, v43;
	v23 =	vld [tilespmem:s25+$0x200];
	v0 =	vadd.f32 v22, v0;
	v22 =	vmul.f32 v42, v42  }
0xca: {  	v17 =	vmul.f32 v17, v17;
	v25 =	vld [tilespmem:s25+$0x210];
	v4 =	vadd.f32 v16, v4;
	v5 =	vadd.f32 v21, v5  }
0xcb: {  	v3 =	vmul.f32 v3, v3;
	v24 =	vld [tilespmem:s25+$0x8220];
	v2 =	vadd.f32 v22, v2;
	v0 =	vadd.f32 v20, v0  }
0xcc: {  	v1 =	vmul.f32 v1, v1;
	v27 =	vld [tilespmem:s25+$0x220];
	v5 =	vadd.f32 v17, v5;
	v16 =	vsub.f32 v31, v32  }
0xcd: {  	v21 =	vld [tilespmem:s25+$0x8200];
	v17 =	vsub.f32 v33, v34;
	v20 =	vsub.f32 v39, v40  }
0xce: {  	v22 =	vld [tilespmem:s25+$0x8210];
	v2 =	vadd.f32 v3, v2;
	v0 =	vadd.f32 v1, v0  }
0xcf: {  	s26 =	simm.s32 $0x400;
	v26 =	vld [tilespmem:s25+$0x8230];
	v3 =	vsub.f32 v35, v36;
	v1 =	vsub.f32 v37, v38  }
.LBB2_6:
0xd0: {  	p0 =	sne.s32 s26, $0xFC00;
	v28 =	vld [tilespmem:s25+$0x230];
	v6 =	vsub.f32 v6, v7;
	v7 =	vsub.f32 v8, v11  }
0xd1: {  	v8 =	vsub.f32 v15, v19;
	v9 =	vsub.f32 v9, v12;
	v11 =	vld [tilespmem:s25+$0x8270]  }
0xd2: {  	v12 =	vsub.f32 v21, v23;
	v14 =	vsub.f32 v14, v18;
	v15 =	vld [tilespmem:s25+$0x270];
	s25 =	sshra.s32 s26, $0x2  }
0xd3: {  	v16 =	vmul.f32 v16, v16;
	v17 =	vmul.f32 v17, v17;
	v18 =	vsub.f32 v22, v25;
	v29 =	vld [tilespmem:s25+$0x82C0]  }
0xd4: {  	v20 =	vmul.f32 v20, v20;
	v6 =	vmul.f32 v6, v6;
	v19 =	vsub.f32 v24, v27;
	v30 =	vld [tilespmem:s25+$0x2C0]  }
0xd5: {  	v8 =	vmul.f32 v8, v8;
	v14 =	vmul.f32 v14, v14;
	v31 =	vld [tilespmem:s25+$0x82D0];
	v21 =	vsub.f32 v26, v28  }
0xd6: {  	v10 =	vsub.f32 v10, v13;
	v12 =	vmul.f32 v12, v12;
	v18 =	vmul.f32 v18, v18;
	v26 =	vld [tilespmem:s25+$0x2D0]  }
0xd7: {  	v13 =	vmul.f32 v19, v19;
	v28 =	vld [tilespmem:s25+$0x82E0];
	v19 =	vmul.f32 v21, v21;
	v11 =	vsub.f32 v11, v15  }
0xd8: {  	v10 =	vmul.f32 v10, v10;
	v4 =	vadd.f32 v12, v4;
	v5 =	vadd.f32 v18, v5;
	v32 =	vld [tilespmem:s25+$0x2E0]  }
0xd9: {  	v2 =	vadd.f32 v13, v2;
	v33 =	vld [tilespmem:s25+$0x82F0];
	v0 =	vadd.f32 v19, v0;
	v11 =	vmul.f32 v11, v11  }
0xda: {  	v7 =	vmul.f32 v7, v7;
	v4 =	vadd.f32 v8, v4;
	v5 =	vadd.f32 v14, v5;
	v34 =	vld [tilespmem:s25+$0x2F0]  }
0xdb: {  	v8 =	vmul.f32 v9, v9;
	v2 =	vadd.f32 v10, v2;
	v35 =	vld [tilespmem:s25+$0x8280];
	v0 =	vadd.f32 v11, v0  }
0xdc: {  	v3 =	vmul.f32 v3, v3;
	v4 =	vadd.f32 v20, v4;
	v5 =	vadd.f32 v6, v5;
	v36 =	vld [tilespmem:s25+$0x280]  }
0xdd: {  	v1 =	vmul.f32 v1, v1;
	v2 =	vadd.f32 v7, v2;
	v6 =	vld [tilespmem:s25+$0x8290];
	v0 =	vadd.f32 v8, v0  }
0xde: {  	v4 =	vadd.f32 v16, v4;
	v5 =	vadd.f32 v17, v5;
	v7 =	vld [tilespmem:s25+$0x290]  }
0xdf: {  	v2 =	vadd.f32 v3, v2;
	v8 =	vld [tilespmem:s25+$0x82A0];
	v0 =	vadd.f32 v1, v0  }
0xe0: {  	v11 =	vld [tilespmem:s25+$0x2A0]  }
0xe1: {  	v9 =	vld [tilespmem:s25+$0x82B0]  }
0xe2: {  	v12 =	vld [tilespmem:s25+$0x2B0]  }
0xe3: {  	v15 =	vld [tilespmem:s25+$0x8240]  }
0xe4: {  	v19 =	vld [tilespmem:s25+$0x240]  }
0xe5: {  	v14 =	vld [tilespmem:s25+$0x8250]  }
0xe6: {  	v18 =	vld [tilespmem:s25+$0x250]  }
0xe7: {  	v10 =	vld [tilespmem:s25+$0x8260]  }
0xe8: {  	v13 =	vld [tilespmem:s25+$0x260]  }
0xe9: {  	v21 =	vld [tilespmem:s25+$0x8200]  }
0xea: {  	v23 =	vld [tilespmem:s25+$0x200]  }
.Ltmp2:
0xeb: {  	v22 =	vld [tilespmem:s25+$0x8210];
	(pc) =	sbr.rel @p0 .LBB2_6-.Ltmp2, $4  }
0xec: {  	v25 =	vld [tilespmem:s25+$0x210]  }
0xed: {  	v16 =	vsub.f32 v29, v30;
	v24 =	vld [tilespmem:s25+$0x8220]  }
0xee: {  	v17 =	vsub.f32 v31, v26;
	v3 =	vsub.f32 v28, v32;
	v27 =	vld [tilespmem:s25+$0x220]  }
0xef: {  	s26 =	sadd.s32 $0x400, s26;
	v1 =	vsub.f32 v33, v34;
	v20 =	vsub.f32 v35, v36;
	v26 =	vld [tilespmem:s25+$0x8230]  }
0xf0: {  	v28 =	vld [tilespmem:s25+$0x230]  }
0xf1: {  	v29 =	vld [tilespmem:s25+$0x8270]  }
0xf2: {  	v30 =	vld [tilespmem:s25+$0x270];
	_ =	swait.ge [sflag:s20], $0x4000  }
0xf3: {  	[sflag:s20] =	ssyncset.done $0x0  }
0xf4: {  	[sflag:s20] =	ssyncadd.s32 $0xFFFFC000  }
0xf5: {  	_ =	swait.ge [sflag:s21], $0x4000  }
0xf6: {  	[sflag:s21] =	ssyncset.done $0x0  }
0xf7: {  	s25 =	simm.s32 $0x0;
	[sflag:s21] =	ssyncadd.s32 $0xFFFFC000  }
0xf8: {  	v31 =	vld [tilespmem:s25+$0xC2C0]  }
0xf9: {  	v32 =	vld [tilespmem:s25+$0x42C0]  }
0xfa: {  	v33 =	vld [tilespmem:s25+$0xC2D0]  }
0xfb: {  	v34 =	vld [tilespmem:s25+$0x42D0]  }
0xfc: {  	v35 =	vld [tilespmem:s25+$0xC2E0]  }
0xfd: {  	v36 =	vld [tilespmem:s25+$0x42E0]  }
0xfe: {  	v37 =	vld [tilespmem:s25+$0xC2F0]  }
0xff: {  	v38 =	vld [tilespmem:s25+$0x42F0]  }
0x100: {  	v39 =	vld [tilespmem:s25+$0xC280]  }
0x101: {  	v40 =	vld [tilespmem:s25+$0x4280]  }
0x102: {  	v41 =	vsub.f32 v6, v7;
	v42 =	vsub.f32 v8, v11;
	v6 =	vld [tilespmem:s25+$0xC290]  }
0x103: {  	v15 =	vsub.f32 v15, v19;
	v43 =	vsub.f32 v9, v12;
	v7 =	vld [tilespmem:s25+$0x4290]  }
0x104: {  	v9 =	vsub.f32 v21, v23;
	v19 =	vsub.f32 v22, v25;
	v8 =	vld [tilespmem:s25+$0xC2A0]  }
0x105: {  	v10 =	vsub.f32 v10, v13;
	v12 =	vld [tilespmem:s25+$0x42A0]  }
0x106: {  	v22 =	vsub.f32 v14, v18;
	v9 =	vmul.f32 v9, v9;
	v18 =	vmul.f32 v19, v19;
	v11 =	vld [tilespmem:s25+$0xC2B0]  }
0x107: {  	v20 =	vmul.f32 v20, v20;
	v25 =	vmul.f32 v1, v1;
	v21 =	vsub.f32 v24, v27;
	v13 =	vld [tilespmem:s25+$0x42B0]  }
0x108: {  	v4 =	vadd.f32 v9, v4;
	v9 =	vmul.f32 v15, v15;
	v5 =	vadd.f32 v18, v5;
	v18 =	vld [tilespmem:s25+$0x4240]  }
0x109: {  	v10 =	vmul.f32 v10, v10;
	v14 =	vsub.f32 v26, v28;
	v19 =	vmul.f32 v21, v21;
	v15 =	vld [tilespmem:s25+$0xC250]  }
0x10a: {  	v22 =	vmul.f32 v22, v22;
	v21 =	vsub.f32 v29, v30;
	v4 =	vadd.f32 v9, v4;
	v9 =	vld [tilespmem:s25+$0xC260]  }
0x10b: {  	v24 =	vmul.f32 v3, v3;
	v23 =	vmul.f32 v14, v14;
	v14 =	vld [tilespmem:s25+$0xC240];
	v2 =	vadd.f32 v19, v2  }
0x10c: {  	v21 =	vmul.f32 v21, v21;
	v19 =	vld [tilespmem:s25+$0x4250];
	v5 =	vadd.f32 v22, v5;
	v22 =	vmul.f32 v41, v41  }
0x10d: {  	v4 =	vadd.f32 v20, v4;
	v20 =	vmul.f32 v16, v16;
	v16 =	vld [tilespmem:s25+$0xC200];
	v0 =	vadd.f32 v23, v0  }
0x10e: {  	v2 =	vadd.f32 v10, v2;
	v10 =	vld [tilespmem:s25+$0x4260];
	v5 =	vadd.f32 v22, v5;
	v22 =	vmul.f32 v17, v17  }
0x10f: {  	v17 =	vld [tilespmem:s25+$0xC210];
	v1 =	vadd.f32 v20, v4;
	v0 =	vadd.f32 v21, v0;
	v21 =	vmul.f32 v42, v42  }
0x110: {  	v23 =	vmul.f32 v43, v43;
	v20 =	vld [tilespmem:s25+$0xC220];
	v3 =	vadd.f32 v22, v5;
	v26 =	vsub.f32 v33, v34  }
0x111: {  	v22 =	vld [tilespmem:s25+$0x4210];
	v5 =	vsub.f32 v35, v36;
	v2 =	vadd.f32 v21, v2  }
0x112: {  	v27 =	vsub.f32 v39, v40;
	v21 =	vld [tilespmem:s25+$0x4200];
	v23 =	vadd.f32 v23, v0  }
0x113: {  	v4 =	vsub.f32 v37, v38;
	v0 =	vadd.f32 v24, v2;
	v24 =	vld [tilespmem:s25+$0x4220]  }
0x114: {  	s26 =	simm.s32 $0x400;
	v2 =	vadd.f32 v25, v23;
	v25 =	vsub.f32 v31, v32;
	v23 =	vld [tilespmem:s25+$0xC230]  }
.LBB2_8:
0x115: {  	p0 =	sne.s32 s26, $0xFC00;
	v28 =	vld [tilespmem:s25+$0x4230];
	v6 =	vsub.f32 v6, v7;
	v7 =	vsub.f32 v8, v12  }
0x116: {  	v8 =	vsub.f32 v14, v18;
	v11 =	vsub.f32 v11, v13;
	v12 =	vld [tilespmem:s25+$0xC270]  }
0x117: {  	v13 =	vsub.f32 v16, v21;
	v14 =	vsub.f32 v15, v19;
	v15 =	vld [tilespmem:s25+$0x4270];
	s25 =	sshra.s32 s26, $0x2  }
0x118: {  	v18 =	vmul.f32 v26, v26;
	v16 =	vsub.f32 v17, v22;
	v17 =	vmul.f32 v25, v25;
	v29 =	vld [tilespmem:s25+$0xC2C0]  }
0x119: {  	v6 =	vmul.f32 v6, v6;
	v19 =	vsub.f32 v20, v24;
	v20 =	vmul.f32 v27, v27;
	v25 =	vld [tilespmem:s25+$0x42C0]  }
0x11a: {  	v8 =	vmul.f32 v8, v8;
	v14 =	vmul.f32 v14, v14;
	v26 =	vld [tilespmem:s25+$0xC2D0];
	v21 =	vsub.f32 v23, v28  }
0x11b: {  	v9 =	vsub.f32 v9, v10;
	v13 =	vmul.f32 v13, v13;
	v16 =	vmul.f32 v16, v16;
	v23 =	vld [tilespmem:s25+$0x42D0]  }
0x11c: {  	v10 =	vmul.f32 v19, v19;
	v27 =	vld [tilespmem:s25+$0xC2E0];
	v19 =	vmul.f32 v21, v21;
	v12 =	vsub.f32 v12, v15  }
0x11d: {  	v9 =	vmul.f32 v9, v9;
	v1 =	vadd.f32 v13, v1;
	v3 =	vadd.f32 v16, v3;
	v28 =	vld [tilespmem:s25+$0x42E0]  }
0x11e: {  	v0 =	vadd.f32 v10, v0;
	v30 =	vld [tilespmem:s25+$0xC2F0];
	v2 =	vadd.f32 v19, v2;
	v10 =	vmul.f32 v12, v12  }
0x11f: {  	v7 =	vmul.f32 v7, v7;
	v1 =	vadd.f32 v8, v1;
	v3 =	vadd.f32 v14, v3;
	v31 =	vld [tilespmem:s25+$0x42F0]  }
0x120: {  	v8 =	vmul.f32 v11, v11;
	v0 =	vadd.f32 v9, v0;
	v32 =	vld [tilespmem:s25+$0xC280];
	v2 =	vadd.f32 v10, v2  }
0x121: {  	v5 =	vmul.f32 v5, v5;
	v1 =	vadd.f32 v20, v1;
	v3 =	vadd.f32 v6, v3;
	v33 =	vld [tilespmem:s25+$0x4280]  }
0x122: {  	v4 =	vmul.f32 v4, v4;
	v0 =	vadd.f32 v7, v0;
	v6 =	vld [tilespmem:s25+$0xC290];
	v2 =	vadd.f32 v8, v2  }
0x123: {  	v1 =	vadd.f32 v17, v1;
	v3 =	vadd.f32 v18, v3;
	v7 =	vld [tilespmem:s25+$0x4290]  }
0x124: {  	v0 =	vadd.f32 v5, v0;
	v8 =	vld [tilespmem:s25+$0xC2A0];
	v2 =	vadd.f32 v4, v2  }
0x125: {  	v12 =	vld [tilespmem:s25+$0x42A0]  }
0x126: {  	v11 =	vld [tilespmem:s25+$0xC2B0]  }
0x127: {  	v13 =	vld [tilespmem:s25+$0x42B0]  }
0x128: {  	v14 =	vld [tilespmem:s25+$0xC240]  }
0x129: {  	v18 =	vld [tilespmem:s25+$0x4240]  }
0x12a: {  	v15 =	vld [tilespmem:s25+$0xC250]  }
0x12b: {  	v19 =	vld [tilespmem:s25+$0x4250]  }
0x12c: {  	v9 =	vld [tilespmem:s25+$0xC260]  }
0x12d: {  	v10 =	vld [tilespmem:s25+$0x4260]  }
0x12e: {  	v16 =	vld [tilespmem:s25+$0xC200]  }
0x12f: {  	v21 =	vld [tilespmem:s25+$0x4200]  }
.Ltmp3:
0x130: {  	v17 =	vld [tilespmem:s25+$0xC210];
	(pc) =	sbr.rel @p0 .LBB2_8-.Ltmp3, $4  }
0x131: {  	v22 =	vld [tilespmem:s25+$0x4210]  }
0x132: {  	v25 =	vsub.f32 v29, v25;
	v20 =	vld [tilespmem:s25+$0xC220]  }
0x133: {  	v26 =	vsub.f32 v26, v23;
	v5 =	vsub.f32 v27, v28;
	v24 =	vld [tilespmem:s25+$0x4220]  }
0x134: {  	s26 =	sadd.s32 $0x400, s26;
	v4 =	vsub.f32 v30, v31;
	v27 =	vsub.f32 v32, v33;
	v23 =	vld [tilespmem:s25+$0xC230]  }
0x135: {  	v28 =	vld [tilespmem:s25+$0x4230];
	v6 =	vsub.f32 v6, v7  }
0x136: {  	v48 =	vsub.f32 v8, v12;
	v49 =	vsub.f32 v14, v18;
	v50 =	vld [tilespmem:s25+$0xC270]  }
0x137: {  	v11 =	vsub.f32 v11, v13;
	v51 =	vsub.f32 v16, v21;
	v53 =	vld [tilespmem:s25+$0x4270];
	v55 =	vmul.f32 v25, v25  }
0x138: {  	v52 =	vsub.f32 v15, v19;
	v56 =	vmul.f32 v26, v26;
	v58 =	vmul.f32 v27, v27  }
0x139: {  	v54 =	vsub.f32 v17, v22;
	v6 =	vmul.f32 v6, v6;
	v8 =	vmul.f32 v49, v49  }
0x13a: {  	v14 =	vmul.f32 v52, v52;
	v57 =	vsub.f32 v20, v24;
	v59 =	vsub.f32 v23, v28  }
0x13b: {  	v9 =	vsub.f32 v9, v10;
	v13 =	vmul.f32 v51, v51;
	v16 =	vmul.f32 v54, v54  }
0x13c: {  	v60 =	vmul.f32 v57, v57;
	v12 =	vsub.f32 v50, v53;
	v61 =	vmul.f32 v59, v59  }
0x13d: {  	v9 =	vmul.f32 v9, v9;
	v1 =	vadd.f32 v13, v1;
	v3 =	vadd.f32 v16, v3  }
0x13e: {  	v0 =	vadd.f32 v60, v0;
	v62 =	vmul.f32 v12, v12;
	v2 =	vadd.f32 v61, v2  }
0x13f: {  	v7 =	vmul.f32 v48, v48;
	v1 =	vadd.f32 v8, v1;
	v3 =	vadd.f32 v14, v3  }
0x140: {  	v63 =	vmul.f32 v11, v11;
	v0 =	vadd.f32 v9, v0;
	v2 =	vadd.f32 v62, v2  }
0x141: {  	v5 =	vmul.f32 v5, v5;
	v1 =	vadd.f32 v58, v1;
	v3 =	vadd.f32 v6, v3  }
0x142: {  	v4 =	vmul.f32 v4, v4;
	v0 =	vadd.f32 v7, v0;
	v2 =	vadd.f32 v63, v2  }
0x143: {  	v1 =	vadd.f32 v55, v1;
	v3 =	vadd.f32 v56, v3  }
0x144: {  	v0 =	vadd.f32 v5, v0;
	v2 =	vadd.f32 v4, v2;
	_ =	sdelay $0x1  }
0x145: {  	v1 =	vadd.f32 v3, v1;
	v0 =	vadd.f32 v2, v0;
	_ =	sdelay $0x1  }
0x146: {  	s24 =	sadd.s32 $0x1, s24;
	v0 =	vadd.f32 v0, v1  }
0x147: {  	p0 =	sne.s32 s24, s10  }
.Ltmp4:
0x148: {  	[tilespmem:$0x10200] =	vst v0;
	(pc) =	sbr.rel @p0 .LBB2_1-.Ltmp4, $4  }
0x149: {  	[hbm4b:s9+s3] =	stream.linear.scatter [tilespmem:s23], [sflag:$0x5], $0x80, $0x38;
	[tilespmem:$0x10280] =	vst v63  }
0x14a: {  	_ =	swait.ge [sflag:s11], $0x80  }
0x14b: {  	[sflag:s11] =	ssyncset.done $0x0  }
0x14c: {  	[sflag:s11] =	ssyncadd.s32 $0xFFFFFF80  }
0x14d: {  	_ =	sfence.sel $0x180000  }
0x14e: {  	[bflag:$0x0] =	sbarrier.arrive $0xFFFF  }
0x14f: {  	p0 =	sne.s32 s1, $0x0;
	_ =	strace $0x90000047  }
0x150: {  	s0 =	sadd.s32 @!p0 $0x100000, s0;
	[bflag:$0x2] =	sbarrier.arrive $0xFFFF  }
0x151: {  	[sflag:s0] =	ssyncadd.tile.s32 @!p0 $0x1;
	_ =	shalt  }
.Lfunc_end2:
_tile_overlayer_lowered:
.L_overlay_start_2:
0x152: {  	(tag) =	ssettag $0x2  }
0x153: {  	s0 =	rddreg [dreg:$0x0];
	s2 =	stileid.u32  }
0x154: {  	s1 =	rddreg [dreg:$0x1];
	p0 =	sne.s32 s2, $0x0  }
0x155: {  	s3 =	rddreg [dreg:$0x2];
	[bflag:$0x3] =	sbarrier.arrive $0xFFFF;
	s2 =	simm.s32 @!p0 $0x1C05  }
0x156: {  	[timem:s3], [sflag:s2] =	dma.local @!p0 [hbm:s0], s1  }
0x157: {  	s0 =	simm.s32 @!p0 $0x5  }
0x158: {  	_ =	swait.ge @!p0 [sflag:s0], s1  }
0x159: {  	s1 =	ssub.s32 @!p0 $0x0, s1;
	[sflag:s0] =	ssyncset.done @!p0 $0x0  }
0x15a: {  	[sflag:s0] =	ssyncadd.s32 @!p0 s1  }
0x15b: {  	[bflag:$0x3] =	sbarrier.arrive $0xFFFF  }
0x15c: {  	_ =	shalt  }

</sc_bundles>
